<compile_context>
chip_gen: v7x
topology: tpu7x:2x2x1
jax: 0.10.2.dev20260603
libtpu: 0.0.44.dev20260713+nightly
codegen_flags: <defaults>
</compile_context>

<pallas_src>
import functools

import jax
import jax.numpy as jnp
from jax import lax
from jax.experimental import pallas as pl
from jax.experimental.pallas import tpu as pltpu
from jax.experimental.pallas import tpu_sc as plsc

N = 10000
E = 320000
HID = 32
NG = 64
NCORES = 2
NSUB = 16
NWORK = NCORES * NSUB
CHUNK = 128
EPW = (E + 2 * NWORK * CHUNK - 1) // (2 * NWORK * CHUNK) * 2 * CHUNK
EPAD = EPW * NWORK
NCHUNK = EPW // CHUNK
ROWS_PER_TILE = (N // NSUB + 16) // 16 * 16
NPAD = ROWS_PER_TILE * NSUB

_mesh = plsc.VectorSubcoreMesh(core_axis_name="c", subcore_axis_name="s",
                               num_cores=NCORES, num_subcores=NSUB)


@functools.partial(
    pl.kernel,
    out_type=jax.ShapeDtypeStruct((NWORK, NPAD), jnp.float32),
    mesh=_mesh,
    compiler_params=pltpu.CompilerParams(needs_layout_passes=False),
    scratch_types=[
        pltpu.VMEM((NPAD,), jnp.float32),
        pltpu.VMEM((EPW,), jnp.int32),
    ],
)
def _sc_deg(dsts_hbm, degp_hbm, deg_v, dst_v):
    c = lax.axis_index("c")
    s = lax.axis_index("s")
    wid = c * NSUB + s
    zero16 = jnp.zeros((16,), jnp.float32)
    ones16 = jnp.ones((16,), jnp.float32)

    def zbody(i, carry):
        deg_v[pl.ds(i * 16, 16)] = zero16
        return carry
    lax.fori_loop(0, NPAD // 16, zbody, 0)

    pltpu.sync_copy(dsts_hbm.at[wid], dst_v)

    def ebody(i, carry):
        vals = dst_v[pl.ds(i * 16, 16)]
        plsc.addupdate_scatter(deg_v, [vals], ones16)
        return carry
    lax.fori_loop(0, EPW // 16, ebody, 0)

    pltpu.sync_copy(deg_v, degp_hbm.at[wid])


@functools.partial(
    pl.kernel,
    out_type=jax.ShapeDtypeStruct((NCORES, NPAD, HID), jnp.float32),
    mesh=_mesh,
    compiler_params=pltpu.CompilerParams(needs_layout_passes=False,
                                         use_tc_tiling_on_sc=False),
    scratch_types=[
        pltpu.VMEM((NCHUNK, CHUNK), jnp.int32),
        pltpu.VMEM((NCHUNK, CHUNK), jnp.int32),
        pltpu.VMEM((2, CHUNK, HID), jnp.float32),
        pltpu.VMEM((ROWS_PER_TILE, HID), jnp.float32),
        pltpu.VMEM_SHARED((NPAD, HID), jnp.float32),
        pltpu.VMEM_SHARED((N, HID), jnp.float32),
        pltpu.SemaphoreType.DMA,
        pltpu.SemaphoreType.DMA,
    ],
)
def _sc_agg(g_hbm, srcs_hbm, dsts_hbm, parts_hbm,
            src_v, dst_v, rows2, z_v, acc_sh, g_sh, sem0, sem1):
    c = lax.axis_index("c")
    s = lax.axis_index("s")
    wid = c * NSUB + s
    zero16 = jnp.zeros((16,), jnp.float32)

    def zbody(i, carry):
        z_v[i, pl.ds(0, 16)] = zero16
        z_v[i, pl.ds(16, 16)] = zero16
        return carry
    lax.fori_loop(0, ROWS_PER_TILE, zbody, 0)

    pltpu.sync_copy(z_v, acc_sh.at[pl.ds(s * ROWS_PER_TILE, ROWS_PER_TILE)])
    pltpu.sync_copy(g_hbm.at[pl.ds(s * (N // NSUB), N // NSUB)],
                    g_sh.at[pl.ds(s * (N // NSUB), N // NSUB)])
    plsc.subcore_barrier()

    pltpu.sync_copy(srcs_hbm.at[wid], src_v)
    pltpu.sync_copy(dsts_hbm.at[wid], dst_v)

    half = NCHUNK // 2
    pltpu.async_copy(g_sh.at[src_v.at[0]], rows2.at[0], sem0)

    def ebody(i, carry):
        j0 = 2 * i
        pltpu.make_async_copy(g_sh.at[src_v.at[j0]], rows2.at[0], sem0).wait()
        pltpu.async_copy(g_sh.at[src_v.at[j0 + 1]], rows2.at[1], sem1)
        pltpu.sync_copy(rows2.at[0], acc_sh.at[dst_v.at[j0]], add=True)
        pltpu.make_async_copy(g_sh.at[src_v.at[j0 + 1]], rows2.at[1],
                              sem1).wait()

        @pl.when(i < half - 1)
        def _prefetch():
            pltpu.async_copy(g_sh.at[src_v.at[j0 + 2]], rows2.at[0], sem0)

        pltpu.sync_copy(rows2.at[1], acc_sh.at[dst_v.at[j0 + 1]], add=True)
        return carry
    lax.fori_loop(0, half, ebody, 0)

    plsc.subcore_barrier()
    pltpu.sync_copy(acc_sh.at[pl.ds(s * ROWS_PER_TILE, ROWS_PER_TILE)],
                    parts_hbm.at[c, pl.ds(s * ROWS_PER_TILE, ROWS_PER_TILE)])


def _tc1_body(x_ref, w_ref, degp_ref, h_ref, g_ref, d_ref):
    degp = degp_ref[...]
    ones = jnp.ones((NWORK, 1), jnp.float32)
    deg = lax.dot_general(degp, ones, (((0,), (0,)), ((), ())),
                          preferred_element_type=jnp.float32)
    d = lax.rsqrt(deg[:N] + 1.0)
    h = jnp.dot(x_ref[...], w_ref[...], preferred_element_type=jnp.float32)
    h_ref[...] = h
    g_ref[...] = h * d
    d_ref[...] = d


def _tc_mid_body(parts_ref, h_ref, d_ref, b_ref, w_ref, hn_ref, gn_ref):
    d = d_ref[...]
    agg = parts_ref[0, :N, :] + parts_ref[1, :N, :]
    z = jnp.maximum(d * agg + (d * d) * h_ref[...] + b_ref[...], 0.0)
    hn = jnp.dot(z, w_ref[...], preferred_element_type=jnp.float32)
    hn_ref[...] = hn
    gn_ref[...] = hn * d


def _tc_final_body(parts_ref, h_ref, d_ref, b_ref, batch_ref, wl_ref, bl_ref,
                   out_ref):
    d = d_ref[...]
    agg = parts_ref[0, :N, :] + parts_ref[1, :N, :]
    z = d * agg + (d * d) * h_ref[...] + b_ref[...]
    gid = lax.broadcasted_iota(jnp.int32, (NG, N), 0)
    onehot = (gid == batch_ref[...]).astype(jnp.float32)
    sums = jnp.dot(onehot, z, preferred_element_type=jnp.float32)
    counts = jnp.sum(onehot, axis=1, keepdims=True)
    pooled = sums / jnp.maximum(counts, 1.0)
    out_ref[...] = (jnp.dot(pooled, wl_ref[...],
                            preferred_element_type=jnp.float32) + bl_ref[...])


_tc1 = pl.pallas_call(
    _tc1_body,
    out_shape=(jax.ShapeDtypeStruct((N, HID), jnp.float32),
               jax.ShapeDtypeStruct((N, HID), jnp.float32),
               jax.ShapeDtypeStruct((N, 1), jnp.float32)),
)

_tc_mid = pl.pallas_call(
    _tc_mid_body,
    out_shape=(jax.ShapeDtypeStruct((N, HID), jnp.float32),
               jax.ShapeDtypeStruct((N, HID), jnp.float32)),
)

_tc_final = pl.pallas_call(
    _tc_final_body,
    out_shape=jax.ShapeDtypeStruct((NG, 16), jnp.float32),
)


def kernel(x, edge_index, batch, W1, b1, W2, b2, W3, b3, Wl, bl):
    src = edge_index[0].astype(jnp.int32)
    dst = edge_index[1].astype(jnp.int32)
    npad = EPAD - E
    src_p = jnp.concatenate([src, jnp.zeros((npad,), jnp.int32)])
    dst_p = jnp.concatenate([dst, jnp.full((npad,), N, jnp.int32)])
    srcs = src_p.reshape(NWORK, NCHUNK, CHUNK)
    dsts = dst_p.reshape(NWORK, NCHUNK, CHUNK)
    dsts_flat = dst_p.reshape(NWORK, EPW)

    degp = _sc_deg(dsts_flat)
    h1, g1, d = _tc1(x.astype(jnp.float32), W1, degp)
    p1 = _sc_agg(g1, srcs, dsts)
    h2, g2 = _tc_mid(p1, h1, d, b1.reshape(1, HID), W2)
    p2 = _sc_agg(g2, srcs, dsts)
    h3, g3 = _tc_mid(p2, h2, d, b2.reshape(1, HID), W3)
    p3 = _sc_agg(g3, srcs, dsts)
    out = _tc_final(p3, h3, d, b3.reshape(1, HID),
                    batch.reshape(1, N).astype(jnp.int32), Wl,
                    bl.reshape(1, 16))
    return out

# --- scband reference (transcript-rebuilt; emitter-appended) ---
"""Pipeline reference for scband-gcn-75496935129721 (READ-ONLY COPY).

The authoritative reference and input builder live on the scoring server;
editing this copy changes nothing except your own understanding.
"""

import jax, jax.numpy as jnp
import numpy as np

N_NODES = 10000
N_EDGES = 320000
IN_CH = 128
HID = 32
OUT_CH = 16
N_GRAPHS = 64


def setup_inputs(seed: int = 0) -> dict:
    key = jax.random.key(seed)
    ks = jax.random.split(key, 16)
    x = jax.random.normal(ks[0], (N_NODES, IN_CH), dtype=jnp.float32)
    edge_index = jax.random.randint(ks[1], (2, N_EDGES), 0, N_NODES, dtype=jnp.int64)
    batch = jnp.sort(jax.random.randint(ks[2], (N_NODES,), 0, N_GRAPHS, dtype=jnp.int64))
    def glorot(k, fan_in, fan_out):
        lim = jnp.sqrt(6.0 / (fan_in + fan_out))
        return jax.random.uniform(k, (fan_in, fan_out), dtype=jnp.float32, minval=-lim, maxval=lim)
    W1 = glorot(ks[3], IN_CH, HID)
    b1 = jnp.zeros((HID,), dtype=jnp.float32)
    W2 = glorot(ks[4], HID, HID)
    b2 = jnp.zeros((HID,), dtype=jnp.float32)
    W3 = glorot(ks[5], HID, HID)
    b3 = jnp.zeros((HID,), dtype=jnp.float32)
    Wl = glorot(ks[6], HID, OUT_CH)
    bl = jnp.zeros((OUT_CH,), dtype=jnp.float32)
    return {"x": x, "edge_index": edge_index, "batch": batch,
            "W1": W1, "b1": b1, "W2": W2, "b2": b2, "W3": W3, "b3": b3,
            "Wl": Wl, "bl": bl}


def gcn_conv(x, src, dst, W, b):
    # GCNConv: x' = D^{-1/2} (A + I) D^{-1/2} X W + b
    h = x @ W
    n = x.shape[0]
    deg = jnp.zeros((n,), dtype=h.dtype).at[dst].add(1.0)
    deg_inv_sqrt = jnp.where(deg > 0, jax.lax.rsqrt(jnp.maximum(deg, 1e-12)), 0.0)
    norm = deg_inv_sqrt[src] * deg_inv_sqrt[dst]
    msgs = h[src] * norm[:, None]
    out = jnp.zeros((n, h.shape[1]), dtype=h.dtype).at[dst].add(msgs)
    return out + b


def reference(x, edge_index, batch, W1, b1, W2, b2, W3, b3, Wl, bl):
    x = x.astype(jnp.float32)
    n = x.shape[0]
    loop = jnp.arange(n, dtype=edge_index.dtype)
    src = jnp.concatenate([edge_index[0], loop])
    dst = jnp.concatenate([edge_index[1], loop])
    h = gcn_conv(x, src, dst, W1, b1)
    h = jax.nn.relu(h)
    h = gcn_conv(h, src, dst, W2, b2)
    h = jax.nn.relu(h)
    h = gcn_conv(h, src, dst, W3, b3)
    # global_mean_pool
    sums = jax.ops.segment_sum(h, batch, num_segments=N_GRAPHS)
    counts = jax.ops.segment_sum(jnp.ones((n,), dtype=h.dtype), batch, num_segments=N_GRAPHS)
    pooled = sums / jnp.maximum(counts, 1.0)[:, None]
    # dropout is identity in eval mode
    out = pooled @ Wl + bl
    return out

if __name__ == "__main__":
    import jax
    _d = setup_inputs()
    print(jax.jit(kernel)(*tuple(_d.values())))

</pallas_src>

<mosaic_0001>
#map = affine_map<(d0, d1) -> (0, 0)>
#map1 = affine_map<(d0, d1) -> (0, 0, 0)>
module attributes {stable_mosaic.version = 14 : i64} {
  func.func @_sc_agg(%arg0: i32, %arg1: i32, %arg2: memref<10000x32xf32, #tpu.memory_space<hbm>>, %arg3: memref<32x80x128xi32, #tpu.memory_space<hbm>>, %arg4: memref<32x80x128xi32, #tpu.memory_space<hbm>>, %arg5: memref<2x10240x32xf32, #tpu.memory_space<hbm>>, %arg6: memref<80x128xi32, #tpu.memory_space<vmem>>, %arg7: memref<80x128xi32, #tpu.memory_space<vmem>>, %arg8: memref<2x128x32xf32, #tpu.memory_space<vmem>>, %arg9: memref<640x32xf32, #tpu.memory_space<vmem>>, %arg10: memref<10240x32xf32, #tpu.memory_space<vmem_shared>>, %arg11: memref<10000x32xf32, #tpu.memory_space<vmem_shared>>, %arg12: memref<!tpu.dma_semaphore, #tpu.memory_space<semaphore_mem>>, %arg13: memref<!tpu.dma_semaphore, #tpu.memory_space<semaphore_mem>>) attributes {dimension_semantics = [#tpu.dimension_semantics<core_parallel>, #tpu.dimension_semantics<subcore_parallel>], iteration_bounds = array<i64: 2, 16>, scalar_prefetch = 0 : i64, scratch_operands = 8 : i64, tpu.core_type = #tpu.core_type<sc_vector_subcore>, window_params = [{transform_indices = #map}, {transform_indices = #map1}, {transform_indices = #map1}, {transform_indices = #map1}]} {
    %mul3A = arith.constant 16 : i32
    %mul3A_0 = arith.muli %arg0, %mul3A : i32
    %add3A = arith.addi %mul3A_0, %arg1 : i32
    %broadcast_in_dim3A = arith.constant 0.000000e+00 : f32
    %broadcast_in_dim3A_1 = vector.broadcast %broadcast_in_dim3A : f32 to vector<16xf32>
    %scan3A = arith.constant 0 : i32
    %scan3A_2 = arith.constant 0 : i32
    %scan3A_3 = arith.constant 640 : i32
    %scan3A_4 = arith.addi %scan3A_2, %scan3A_3 : i32
    %scan3A_5 = arith.constant 1 : i32
    scf.for %scan3A_35 = %scan3A_2 to %scan3A_4 step %scan3A_5  : i32 {
      %swap3A = arith.index_cast %scan3A_35 : i32 to index
      %swap3A_36 = arith.constant 0 : index
      %swap3A_37 = tpu.vector_load %arg9[%swap3A, %swap3A_36] {strides = array<i32>} : memref<640x32xf32, #tpu.memory_space<vmem>>, vector<16xf32>,
      tpu.vector_store %arg9[%swap3A, %swap3A_36], %broadcast_in_dim3A_1 {strides = array<i32>} : memref<640x32xf32, #tpu.memory_space<vmem>>, vector<16xf32>,
      %swap3A_38 = arith.index_cast %scan3A_35 : i32 to index
      %swap3A_39 = arith.constant 16 : index
      %swap3A_40 = tpu.vector_load %arg9[%swap3A_38, %swap3A_39] {strides = array<i32>} : memref<640x32xf32, #tpu.memory_space<vmem>>, vector<16xf32>,
      tpu.vector_store %arg9[%swap3A_38, %swap3A_39], %broadcast_in_dim3A_1 {strides = array<i32>} : memref<640x32xf32, #tpu.memory_space<vmem>>, vector<16xf32>,
    }
    %scan3A_6 = arith.constant 640 : i32
    %mul3A_7 = arith.constant 640 : i32
    %mul3A_8 = arith.muli %arg1, %mul3A_7 : i32
    "tpu.region"() ({
      %run_scoped3A = tpu.sem_alloc : memref<!tpu.dma_semaphore, #tpu.memory_space<semaphore_mem>>
      %dma_start3A_35 = arith.constant 0 : i32
      %dma_start3A_36 = tpu.memref_slice %arg10[%mul3A_8, %dma_start3A_35] : memref<10240x32xf32, #tpu.memory_space<vmem_shared>> -> memref<640x32xf32, #tpu.memory_space<vmem_shared>>
      %dma_start3A_37 = arith.constant 0 : i32
      %dma_start3A_38 = tpu.memref_slice %arg10[%mul3A_8, %dma_start3A_37] : memref<10240x32xf32, #tpu.memory_space<vmem_shared>> -> memref<640x32xf32, #tpu.memory_space<vmem_shared>>
      tpu.enqueue_dma source(%arg9 : memref<640x32xf32, #tpu.memory_space<vmem>>) target(%dma_start3A_38 : memref<640x32xf32, #tpu.memory_space<vmem_shared>>) target_semaphore(%run_scoped3A : memref<!tpu.dma_semaphore, #tpu.memory_space<semaphore_mem>>)
      %dma_wait3A = arith.constant 0 : i32
      %dma_wait3A_39 = tpu.memref_slice %arg10[%mul3A_8, %dma_wait3A] : memref<10240x32xf32, #tpu.memory_space<vmem_shared>> -> memref<640x32xf32, #tpu.memory_space<vmem_shared>>
      %dma_wait3A_40 = arith.constant 0 : i32
      %dma_wait3A_41 = tpu.memref_slice %arg10[%mul3A_8, %dma_wait3A_40] : memref<10240x32xf32, #tpu.memory_space<vmem_shared>> -> memref<640x32xf32, #tpu.memory_space<vmem_shared>>
      tpu.wait_dma2 semaphore(%run_scoped3A : memref<!tpu.dma_semaphore, #tpu.memory_space<semaphore_mem>>) src(%arg9 : memref<640x32xf32, #tpu.memory_space<vmem>>) dst(%dma_wait3A_41 : memref<640x32xf32, #tpu.memory_space<vmem_shared>>)
      tpu.yield
    }) : () -> ()
    %mul3A_9 = arith.constant 625 : i32
    %mul3A_10 = arith.muli %arg1, %mul3A_9 : i32
    %mul3A_11 = arith.constant 625 : i32
    %mul3A_12 = arith.muli %arg1, %mul3A_11 : i32
    "tpu.region"() ({
      %run_scoped3A = tpu.sem_alloc : memref<!tpu.dma_semaphore, #tpu.memory_space<semaphore_mem>>
      %dma_start3A_35 = arith.constant 0 : i32
      %dma_start3A_36 = tpu.memref_slice %arg11[%mul3A_12, %dma_start3A_35] : memref<10000x32xf32, #tpu.memory_space<vmem_shared>> -> memref<625x32xf32, #tpu.memory_space<vmem_shared>>
      %dma_start3A_37 = arith.constant 0 : i32
      %dma_start3A_38 = tpu.memref_slice %arg2[%mul3A_10, %dma_start3A_37] : memref<10000x32xf32, #tpu.memory_space<hbm>> -> memref<625x32xf32, #tpu.memory_space<hbm>>
      tpu.enqueue_dma source(%dma_start3A_38 : memref<625x32xf32, #tpu.memory_space<hbm>>) target(%dma_start3A_36 : memref<625x32xf32, #tpu.memory_space<vmem_shared>>) target_semaphore(%run_scoped3A : memref<!tpu.dma_semaphore, #tpu.memory_space<semaphore_mem>>)
      %dma_wait3A = arith.constant 0 : i32
      %dma_wait3A_39 = tpu.memref_slice %arg11[%mul3A_12, %dma_wait3A] : memref<10000x32xf32, #tpu.memory_space<vmem_shared>> -> memref<625x32xf32, #tpu.memory_space<vmem_shared>>
      %dma_wait3A_40 = arith.constant 0 : i32
      %dma_wait3A_41 = tpu.memref_slice %arg2[%mul3A_10, %dma_wait3A_40] : memref<10000x32xf32, #tpu.memory_space<hbm>> -> memref<625x32xf32, #tpu.memory_space<hbm>>
      tpu.wait_dma2 semaphore(%run_scoped3A : memref<!tpu.dma_semaphore, #tpu.memory_space<semaphore_mem>>) src(%dma_wait3A_41 : memref<625x32xf32, #tpu.memory_space<hbm>>) dst(%dma_wait3A_39 : memref<625x32xf32, #tpu.memory_space<vmem_shared>>)
      tpu.yield
    }) : () -> ()
    %barrier3A = arith.constant 0 : index
    tpu.barrier barrier_id(%barrier3A)
    "tpu.region"() ({
      %run_scoped3A = tpu.sem_alloc : memref<!tpu.dma_semaphore, #tpu.memory_space<semaphore_mem>>
      %dma_start3A_35 = arith.constant 0 : i32
      %dma_start3A_36 = arith.constant 0 : i32
      %dma_start3A_37 = tpu.memref_slice %arg3[%add3A, %dma_start3A_35, %dma_start3A_36] : memref<32x80x128xi32, #tpu.memory_space<hbm>> -> memref<1x80x128xi32, #tpu.memory_space<hbm>>
      %dma_start3A_38 = tpu.memref_squeeze %dma_start3A_37 : memref<1x80x128xi32, #tpu.memory_space<hbm>> -> memref<80x128xi32, #tpu.memory_space<hbm>>
      %dma_start3A_39 = arith.constant 0 : i32
      %dma_start3A_40 = arith.constant 0 : i32
      %dma_start3A_41 = tpu.memref_slice %arg3[%add3A, %dma_start3A_39, %dma_start3A_40] : memref<32x80x128xi32, #tpu.memory_space<hbm>> -> memref<1x80x128xi32, #tpu.memory_space<hbm>>
      %dma_start3A_42 = tpu.memref_squeeze %dma_start3A_41 : memref<1x80x128xi32, #tpu.memory_space<hbm>> -> memref<80x128xi32, #tpu.memory_space<hbm>>
      tpu.enqueue_dma source(%dma_start3A_42 : memref<80x128xi32, #tpu.memory_space<hbm>>) target(%arg6 : memref<80x128xi32, #tpu.memory_space<vmem>>) target_semaphore(%run_scoped3A : memref<!tpu.dma_semaphore, #tpu.memory_space<semaphore_mem>>)
      %dma_wait3A = arith.constant 0 : i32
      %dma_wait3A_43 = arith.constant 0 : i32
      %dma_wait3A_44 = tpu.memref_slice %arg3[%add3A, %dma_wait3A, %dma_wait3A_43] : memref<32x80x128xi32, #tpu.memory_space<hbm>> -> memref<1x80x128xi32, #tpu.memory_space<hbm>>
      %dma_wait3A_45 = tpu.memref_squeeze %dma_wait3A_44 : memref<1x80x128xi32, #tpu.memory_space<hbm>> -> memref<80x128xi32, #tpu.memory_space<hbm>>
      %dma_wait3A_46 = arith.constant 0 : i32
      %dma_wait3A_47 = arith.constant 0 : i32
      %dma_wait3A_48 = tpu.memref_slice %arg3[%add3A, %dma_wait3A_46, %dma_wait3A_47] : memref<32x80x128xi32, #tpu.memory_space<hbm>> -> memref<1x80x128xi32, #tpu.memory_space<hbm>>
      %dma_wait3A_49 = tpu.memref_squeeze %dma_wait3A_48 : memref<1x80x128xi32, #tpu.memory_space<hbm>> -> memref<80x128xi32, #tpu.memory_space<hbm>>
      tpu.wait_dma2 semaphore(%run_scoped3A : memref<!tpu.dma_semaphore, #tpu.memory_space<semaphore_mem>>) src(%dma_wait3A_49 : memref<80x128xi32, #tpu.memory_space<hbm>>) dst(%arg6 : memref<80x128xi32, #tpu.memory_space<vmem>>)
      tpu.yield
    }) : () -> ()
    "tpu.region"() ({
      %run_scoped3A = tpu.sem_alloc : memref<!tpu.dma_semaphore, #tpu.memory_space<semaphore_mem>>
      %dma_start3A_35 = arith.constant 0 : i32
      %dma_start3A_36 = arith.constant 0 : i32
      %dma_start3A_37 = tpu.memref_slice %arg4[%add3A, %dma_start3A_35, %dma_start3A_36] : memref<32x80x128xi32, #tpu.memory_space<hbm>> -> memref<1x80x128xi32, #tpu.memory_space<hbm>>
      %dma_start3A_38 = tpu.memref_squeeze %dma_start3A_37 : memref<1x80x128xi32, #tpu.memory_space<hbm>> -> memref<80x128xi32, #tpu.memory_space<hbm>>
      %dma_start3A_39 = arith.constant 0 : i32
      %dma_start3A_40 = arith.constant 0 : i32
      %dma_start3A_41 = tpu.memref_slice %arg4[%add3A, %dma_start3A_39, %dma_start3A_40] : memref<32x80x128xi32, #tpu.memory_space<hbm>> -> memref<1x80x128xi32, #tpu.memory_space<hbm>>
      %dma_start3A_42 = tpu.memref_squeeze %dma_start3A_41 : memref<1x80x128xi32, #tpu.memory_space<hbm>> -> memref<80x128xi32, #tpu.memory_space<hbm>>
      tpu.enqueue_dma source(%dma_start3A_42 : memref<80x128xi32, #tpu.memory_space<hbm>>) target(%arg7 : memref<80x128xi32, #tpu.memory_space<vmem>>) target_semaphore(%run_scoped3A : memref<!tpu.dma_semaphore, #tpu.memory_space<semaphore_mem>>)
      %dma_wait3A = arith.constant 0 : i32
      %dma_wait3A_43 = arith.constant 0 : i32
      %dma_wait3A_44 = tpu.memref_slice %arg4[%add3A, %dma_wait3A, %dma_wait3A_43] : memref<32x80x128xi32, #tpu.memory_space<hbm>> -> memref<1x80x128xi32, #tpu.memory_space<hbm>>
      %dma_wait3A_45 = tpu.memref_squeeze %dma_wait3A_44 : memref<1x80x128xi32, #tpu.memory_space<hbm>> -> memref<80x128xi32, #tpu.memory_space<hbm>>
      %dma_wait3A_46 = arith.constant 0 : i32
      %dma_wait3A_47 = arith.constant 0 : i32
      %dma_wait3A_48 = tpu.memref_slice %arg4[%add3A, %dma_wait3A_46, %dma_wait3A_47] : memref<32x80x128xi32, #tpu.memory_space<hbm>> -> memref<1x80x128xi32, #tpu.memory_space<hbm>>
      %dma_wait3A_49 = tpu.memref_squeeze %dma_wait3A_48 : memref<1x80x128xi32, #tpu.memory_space<hbm>> -> memref<80x128xi32, #tpu.memory_space<hbm>>
      tpu.wait_dma2 semaphore(%run_scoped3A : memref<!tpu.dma_semaphore, #tpu.memory_space<semaphore_mem>>) src(%dma_wait3A_49 : memref<80x128xi32, #tpu.memory_space<hbm>>) dst(%arg7 : memref<80x128xi32, #tpu.memory_space<vmem>>)
      tpu.yield
    }) : () -> ()
    %dma_start3A = arith.constant 0 : i32
    %dma_start3A_13 = arith.constant 0 : i32
    %dma_start3A_14 = arith.constant 0 : i32
    %dma_start3A_15 = arith.constant 0 : i32
    %dma_start3A_16 = tpu.memref_slice %arg8[%dma_start3A_13, %dma_start3A_14, %dma_start3A_15] : memref<2x128x32xf32, #tpu.memory_space<vmem>> -> memref<1x128x32xf32, #tpu.memory_space<vmem>>
    %dma_start3A_17 = tpu.memref_squeeze %dma_start3A_16 : memref<1x128x32xf32, #tpu.memory_space<vmem>> -> memref<128x32xf32, #tpu.memory_space<vmem>>
    %dma_start3A_18 = arith.constant 0 : i32
    %dma_start3A_19 = tpu.memref_slice %arg6[%dma_start3A, %dma_start3A_18] : memref<80x128xi32, #tpu.memory_space<vmem>> -> memref<1x128xi32, #tpu.memory_space<vmem>>
    %dma_start3A_20 = tpu.memref_squeeze %dma_start3A_19 : memref<1x128xi32, #tpu.memory_space<vmem>> -> memref<128xi32, #tpu.memory_space<vmem>>
    %dma_start3A_21 = arith.constant 0 : i32
    %dma_start3A_22 = arith.constant 0 : i32
    %dma_start3A_23 = tpu.memref_slice %arg11[%dma_start3A_21, %dma_start3A_22] : memref<10000x32xf32, #tpu.memory_space<vmem_shared>> -> memref<10000x32xf32, #tpu.memory_space<vmem_shared>>
    tpu.enqueue_indirect_dma source(%dma_start3A_23 : memref<10000x32xf32, #tpu.memory_space<vmem_shared>>) target(%dma_start3A_17 : memref<128x32xf32, #tpu.memory_space<vmem>>) offsets(%dma_start3A_20 : memref<128xi32, #tpu.memory_space<vmem>>) semaphore(%arg12 : memref<!tpu.dma_semaphore, #tpu.memory_space<semaphore_mem>>)
    %scan3A_24 = arith.constant 0 : i32
    %scan3A_25 = arith.constant 0 : i32
    %scan3A_26 = arith.constant 40 : i32
    %scan3A_27 = arith.addi %scan3A_25, %scan3A_26 : i32
    %scan3A_28 = arith.constant 1 : i32
    scf.for %scan3A_35 = %scan3A_25 to %scan3A_27 step %scan3A_28  : i32 {
      %mul3A_36 = arith.constant 2 : i32
      %mul3A_37 = arith.muli %mul3A_36, %scan3A_35 : i32
      %dma_wait3A = arith.constant 0 : i32
      %dma_wait3A_38 = arith.constant 0 : i32
      %dma_wait3A_39 = arith.constant 0 : i32
      %dma_wait3A_40 = tpu.memref_slice %arg8[%dma_wait3A, %dma_wait3A_38, %dma_wait3A_39] : memref<2x128x32xf32, #tpu.memory_space<vmem>> -> memref<1x128x32xf32, #tpu.memory_space<vmem>>
      %dma_wait3A_41 = tpu.memref_squeeze %dma_wait3A_40 : memref<1x128x32xf32, #tpu.memory_space<vmem>> -> memref<128x32xf32, #tpu.memory_space<vmem>>
      %dma_wait3A_42 = arith.constant 0 : i32
      %dma_wait3A_43 = tpu.memref_slice %arg6[%mul3A_37, %dma_wait3A_42] : memref<80x128xi32, #tpu.memory_space<vmem>> -> memref<1x128xi32, #tpu.memory_space<vmem>>
      %dma_wait3A_44 = tpu.memref_squeeze %dma_wait3A_43 : memref<1x128xi32, #tpu.memory_space<vmem>> -> memref<128xi32, #tpu.memory_space<vmem>>
      %dma_wait3A_45 = arith.constant 0 : i32
      %dma_wait3A_46 = arith.constant 0 : i32
      %dma_wait3A_47 = tpu.memref_slice %arg11[%dma_wait3A_45, %dma_wait3A_46] : memref<10000x32xf32, #tpu.memory_space<vmem_shared>> -> memref<10000x32xf32, #tpu.memory_space<vmem_shared>>
      tpu.wait_indirect_dma semaphore(%arg12 : memref<!tpu.dma_semaphore, #tpu.memory_space<semaphore_mem>>) src(%dma_wait3A_47 : memref<10000x32xf32, #tpu.memory_space<vmem_shared>>) dst(%dma_wait3A_41 : memref<128x32xf32, #tpu.memory_space<vmem>>)
      %add3A_48 = arith.constant 1 : i32
      %add3A_49 = arith.addi %mul3A_37, %add3A_48 : i32
      %dma_start3A_50 = arith.constant 1 : i32
      %dma_start3A_51 = arith.constant 0 : i32
      %dma_start3A_52 = arith.constant 0 : i32
      %dma_start3A_53 = tpu.memref_slice %arg8[%dma_start3A_50, %dma_start3A_51, %dma_start3A_52] : memref<2x128x32xf32, #tpu.memory_space<vmem>> -> memref<1x128x32xf32, #tpu.memory_space<vmem>>
      %dma_start3A_54 = tpu.memref_squeeze %dma_start3A_53 : memref<1x128x32xf32, #tpu.memory_space<vmem>> -> memref<128x32xf32, #tpu.memory_space<vmem>>
      %dma_start3A_55 = arith.constant 0 : i32
      %dma_start3A_56 = tpu.memref_slice %arg6[%add3A_49, %dma_start3A_55] : memref<80x128xi32, #tpu.memory_space<vmem>> -> memref<1x128xi32, #tpu.memory_space<vmem>>
      %dma_start3A_57 = tpu.memref_squeeze %dma_start3A_56 : memref<1x128xi32, #tpu.memory_space<vmem>> -> memref<128xi32, #tpu.memory_space<vmem>>
      %dma_start3A_58 = arith.constant 0 : i32
      %dma_start3A_59 = arith.constant 0 : i32
      %dma_start3A_60 = tpu.memref_slice %arg11[%dma_start3A_58, %dma_start3A_59] : memref<10000x32xf32, #tpu.memory_space<vmem_shared>> -> memref<10000x32xf32, #tpu.memory_space<vmem_shared>>
      tpu.enqueue_indirect_dma source(%dma_start3A_60 : memref<10000x32xf32, #tpu.memory_space<vmem_shared>>) target(%dma_start3A_54 : memref<128x32xf32, #tpu.memory_space<vmem>>) offsets(%dma_start3A_57 : memref<128xi32, #tpu.memory_space<vmem>>) semaphore(%arg13 : memref<!tpu.dma_semaphore, #tpu.memory_space<semaphore_mem>>)
      %run_scoped3A = arith.constant 0 : i32
      "tpu.region"() ({
        %run_scoped3A_79 = tpu.sem_alloc : memref<!tpu.dma_semaphore, #tpu.memory_space<semaphore_mem>>
        %dma_start3A_80 = arith.constant 0 : i32
        %dma_start3A_81 = arith.constant 0 : i32
        %dma_start3A_82 = tpu.memref_slice %arg8[%run_scoped3A, %dma_start3A_80, %dma_start3A_81] : memref<2x128x32xf32, #tpu.memory_space<vmem>> -> memref<1x128x32xf32, #tpu.memory_space<vmem>>
        %dma_start3A_83 = tpu.memref_squeeze %dma_start3A_82 : memref<1x128x32xf32, #tpu.memory_space<vmem>> -> memref<128x32xf32, #tpu.memory_space<vmem>>
        %dma_start3A_84 = arith.constant 0 : i32
        %dma_start3A_85 = tpu.memref_slice %arg7[%mul3A_37, %dma_start3A_84] : memref<80x128xi32, #tpu.memory_space<vmem>> -> memref<1x128xi32, #tpu.memory_space<vmem>>
        %dma_start3A_86 = tpu.memref_squeeze %dma_start3A_85 : memref<1x128xi32, #tpu.memory_space<vmem>> -> memref<128xi32, #tpu.memory_space<vmem>>
        %dma_start3A_87 = arith.constant 0 : i32
        %dma_start3A_88 = arith.constant 0 : i32
        %dma_start3A_89 = tpu.memref_slice %arg10[%dma_start3A_87, %dma_start3A_88] : memref<10240x32xf32, #tpu.memory_space<vmem_shared>> -> memref<10240x32xf32, #tpu.memory_space<vmem_shared>>
        tpu.enqueue_indirect_dma source(%dma_start3A_83 : memref<128x32xf32, #tpu.memory_space<vmem>>) target(%dma_start3A_89 : memref<10240x32xf32, #tpu.memory_space<vmem_shared>>) offsets(%dma_start3A_86 : memref<128xi32, #tpu.memory_space<vmem>>) semaphore(%run_scoped3A_79 : memref<!tpu.dma_semaphore, #tpu.memory_space<semaphore_mem>>) {add = true}
        %dma_wait3A_90 = arith.constant 0 : i32
        %dma_wait3A_91 = arith.constant 0 : i32
        %dma_wait3A_92 = tpu.memref_slice %arg8[%run_scoped3A, %dma_wait3A_90, %dma_wait3A_91] : memref<2x128x32xf32, #tpu.memory_space<vmem>> -> memref<1x128x32xf32, #tpu.memory_space<vmem>>
        %dma_wait3A_93 = tpu.memref_squeeze %dma_wait3A_92 : memref<1x128x32xf32, #tpu.memory_space<vmem>> -> memref<128x32xf32, #tpu.memory_space<vmem>>
        %dma_wait3A_94 = arith.constant 0 : i32
        %dma_wait3A_95 = tpu.memref_slice %arg7[%mul3A_37, %dma_wait3A_94] : memref<80x128xi32, #tpu.memory_space<vmem>> -> memref<1x128xi32, #tpu.memory_space<vmem>>
        %dma_wait3A_96 = tpu.memref_squeeze %dma_wait3A_95 : memref<1x128xi32, #tpu.memory_space<vmem>> -> memref<128xi32, #tpu.memory_space<vmem>>
        %dma_wait3A_97 = arith.constant 0 : i32
        %dma_wait3A_98 = arith.constant 0 : i32
        %dma_wait3A_99 = tpu.memref_slice %arg10[%dma_wait3A_97, %dma_wait3A_98] : memref<10240x32xf32, #tpu.memory_space<vmem_shared>> -> memref<10240x32xf32, #tpu.memory_space<vmem_shared>>
        tpu.wait_indirect_dma semaphore(%run_scoped3A_79 : memref<!tpu.dma_semaphore, #tpu.memory_space<semaphore_mem>>) src(%dma_wait3A_93 : memref<128x32xf32, #tpu.memory_space<vmem>>) dst(%dma_wait3A_99 : memref<10240x32xf32, #tpu.memory_space<vmem_shared>>)
        tpu.yield
      }) : () -> ()
      %add3A_61 = arith.constant 1 : i32
      %add3A_62 = arith.addi %mul3A_37, %add3A_61 : i32
      %dma_wait3A_63 = arith.constant 1 : i32
      %dma_wait3A_64 = arith.constant 0 : i32
      %dma_wait3A_65 = arith.constant 0 : i32
      %dma_wait3A_66 = tpu.memref_slice %arg8[%dma_wait3A_63, %dma_wait3A_64, %dma_wait3A_65] : memref<2x128x32xf32, #tpu.memory_space<vmem>> -> memref<1x128x32xf32, #tpu.memory_space<vmem>>
      %dma_wait3A_67 = tpu.memref_squeeze %dma_wait3A_66 : memref<1x128x32xf32, #tpu.memory_space<vmem>> -> memref<128x32xf32, #tpu.memory_space<vmem>>
      %dma_wait3A_68 = arith.constant 0 : i32
      %dma_wait3A_69 = tpu.memref_slice %arg6[%add3A_62, %dma_wait3A_68] : memref<80x128xi32, #tpu.memory_space<vmem>> -> memref<1x128xi32, #tpu.memory_space<vmem>>
      %dma_wait3A_70 = tpu.memref_squeeze %dma_wait3A_69 : memref<1x128xi32, #tpu.memory_space<vmem>> -> memref<128xi32, #tpu.memory_space<vmem>>
      %dma_wait3A_71 = arith.constant 0 : i32
      %dma_wait3A_72 = arith.constant 0 : i32
      %dma_wait3A_73 = tpu.memref_slice %arg11[%dma_wait3A_71, %dma_wait3A_72] : memref<10000x32xf32, #tpu.memory_space<vmem_shared>> -> memref<10000x32xf32, #tpu.memory_space<vmem_shared>>
      tpu.wait_indirect_dma semaphore(%arg13 : memref<!tpu.dma_semaphore, #tpu.memory_space<semaphore_mem>>) src(%dma_wait3A_73 : memref<10000x32xf32, #tpu.memory_space<vmem_shared>>) dst(%dma_wait3A_67 : memref<128x32xf32, #tpu.memory_space<vmem>>)
      %lt3A = arith.constant 39 : i32
      %lt3A_74 = arith.cmpi slt, %scan3A_35, %lt3A : i32
      %convert_element_type3A = arith.extui %lt3A_74 : i1 to i32
      %cond3A = arith.constant 0 : i32
      %cond3A_75 = arith.cmpi ne, %convert_element_type3A, %cond3A : i32
      scf.if %cond3A_75 {
        %add3A_79 = arith.constant 2 : i32
        %add3A_80 = arith.addi %mul3A_37, %add3A_79 : i32
        %dma_start3A_81 = arith.constant 0 : i32
        %dma_start3A_82 = arith.constant 0 : i32
        %dma_start3A_83 = arith.constant 0 : i32
        %dma_start3A_84 = tpu.memref_slice %arg8[%dma_start3A_81, %dma_start3A_82, %dma_start3A_83] : memref<2x128x32xf32, #tpu.memory_space<vmem>> -> memref<1x128x32xf32, #tpu.memory_space<vmem>>
        %dma_start3A_85 = tpu.memref_squeeze %dma_start3A_84 : memref<1x128x32xf32, #tpu.memory_space<vmem>> -> memref<128x32xf32, #tpu.memory_space<vmem>>
        %dma_start3A_86 = arith.constant 0 : i32
        %dma_start3A_87 = tpu.memref_slice %arg6[%add3A_80, %dma_start3A_86] : memref<80x128xi32, #tpu.memory_space<vmem>> -> memref<1x128xi32, #tpu.memory_space<vmem>>
        %dma_start3A_88 = tpu.memref_squeeze %dma_start3A_87 : memref<1x128xi32, #tpu.memory_space<vmem>> -> memref<128xi32, #tpu.memory_space<vmem>>
        %dma_start3A_89 = arith.constant 0 : i32
        %dma_start3A_90 = arith.constant 0 : i32
        %dma_start3A_91 = tpu.memref_slice %arg11[%dma_start3A_89, %dma_start3A_90] : memref<10000x32xf32, #tpu.memory_space<vmem_shared>> -> memref<10000x32xf32, #tpu.memory_space<vmem_shared>>
        tpu.enqueue_indirect_dma source(%dma_start3A_91 : memref<10000x32xf32, #tpu.memory_space<vmem_shared>>) target(%dma_start3A_85 : memref<128x32xf32, #tpu.memory_space<vmem>>) offsets(%dma_start3A_88 : memref<128xi32, #tpu.memory_space<vmem>>) semaphore(%arg12 : memref<!tpu.dma_semaphore, #tpu.memory_space<semaphore_mem>>)
      } else {
      }
      %add3A_76 = arith.constant 1 : i32
      %add3A_77 = arith.addi %mul3A_37, %add3A_76 : i32
      %run_scoped3A_78 = arith.constant 1 : i32
      "tpu.region"() ({
        %run_scoped3A_79 = tpu.sem_alloc : memref<!tpu.dma_semaphore, #tpu.memory_space<semaphore_mem>>
        %dma_start3A_80 = arith.constant 0 : i32
        %dma_start3A_81 = arith.constant 0 : i32
        %dma_start3A_82 = tpu.memref_slice %arg8[%run_scoped3A_78, %dma_start3A_80, %dma_start3A_81] : memref<2x128x32xf32, #tpu.memory_space<vmem>> -> memref<1x128x32xf32, #tpu.memory_space<vmem>>
        %dma_start3A_83 = tpu.memref_squeeze %dma_start3A_82 : memref<1x128x32xf32, #tpu.memory_space<vmem>> -> memref<128x32xf32, #tpu.memory_space<vmem>>
        %dma_start3A_84 = arith.constant 0 : i32
        %dma_start3A_85 = tpu.memref_slice %arg7[%add3A_77, %dma_start3A_84] : memref<80x128xi32, #tpu.memory_space<vmem>> -> memref<1x128xi32, #tpu.memory_space<vmem>>
        %dma_start3A_86 = tpu.memref_squeeze %dma_start3A_85 : memref<1x128xi32, #tpu.memory_space<vmem>> -> memref<128xi32, #tpu.memory_space<vmem>>
        %dma_start3A_87 = arith.constant 0 : i32
        %dma_start3A_88 = arith.constant 0 : i32
        %dma_start3A_89 = tpu.memref_slice %arg10[%dma_start3A_87, %dma_start3A_88] : memref<10240x32xf32, #tpu.memory_space<vmem_shared>> -> memref<10240x32xf32, #tpu.memory_space<vmem_shared>>
        tpu.enqueue_indirect_dma source(%dma_start3A_83 : memref<128x32xf32, #tpu.memory_space<vmem>>) target(%dma_start3A_89 : memref<10240x32xf32, #tpu.memory_space<vmem_shared>>) offsets(%dma_start3A_86 : memref<128xi32, #tpu.memory_space<vmem>>) semaphore(%run_scoped3A_79 : memref<!tpu.dma_semaphore, #tpu.memory_space<semaphore_mem>>) {add = true}
        %dma_wait3A_90 = arith.constant 0 : i32
        %dma_wait3A_91 = arith.constant 0 : i32
        %dma_wait3A_92 = tpu.memref_slice %arg8[%run_scoped3A_78, %dma_wait3A_90, %dma_wait3A_91] : memref<2x128x32xf32, #tpu.memory_space<vmem>> -> memref<1x128x32xf32, #tpu.memory_space<vmem>>
        %dma_wait3A_93 = tpu.memref_squeeze %dma_wait3A_92 : memref<1x128x32xf32, #tpu.memory_space<vmem>> -> memref<128x32xf32, #tpu.memory_space<vmem>>
        %dma_wait3A_94 = arith.constant 0 : i32
        %dma_wait3A_95 = tpu.memref_slice %arg7[%add3A_77, %dma_wait3A_94] : memref<80x128xi32, #tpu.memory_space<vmem>> -> memref<1x128xi32, #tpu.memory_space<vmem>>
        %dma_wait3A_96 = tpu.memref_squeeze %dma_wait3A_95 : memref<1x128xi32, #tpu.memory_space<vmem>> -> memref<128xi32, #tpu.memory_space<vmem>>
        %dma_wait3A_97 = arith.constant 0 : i32
        %dma_wait3A_98 = arith.constant 0 : i32
        %dma_wait3A_99 = tpu.memref_slice %arg10[%dma_wait3A_97, %dma_wait3A_98] : memref<10240x32xf32, #tpu.memory_space<vmem_shared>> -> memref<10240x32xf32, #tpu.memory_space<vmem_shared>>
        tpu.wait_indirect_dma semaphore(%run_scoped3A_79 : memref<!tpu.dma_semaphore, #tpu.memory_space<semaphore_mem>>) src(%dma_wait3A_93 : memref<128x32xf32, #tpu.memory_space<vmem>>) dst(%dma_wait3A_99 : memref<10240x32xf32, #tpu.memory_space<vmem_shared>>)
        tpu.yield
      }) : () -> ()
    }
    %scan3A_29 = arith.constant 40 : i32
    %barrier3A_30 = arith.constant 0 : index
    tpu.barrier barrier_id(%barrier3A_30)
    %mul3A_31 = arith.constant 640 : i32
    %mul3A_32 = arith.muli %arg1, %mul3A_31 : i32
    %mul3A_33 = arith.constant 640 : i32
    %mul3A_34 = arith.muli %arg1, %mul3A_33 : i32
    "tpu.region"() ({
      %run_scoped3A = tpu.sem_alloc : memref<!tpu.dma_semaphore, #tpu.memory_space<semaphore_mem>>
      %dma_start3A_35 = arith.constant 0 : i32
      %dma_start3A_36 = tpu.memref_slice %arg5[%arg0, %mul3A_34, %dma_start3A_35] : memref<2x10240x32xf32, #tpu.memory_space<hbm>> -> memref<1x640x32xf32, #tpu.memory_space<hbm>>
      %dma_start3A_37 = tpu.memref_squeeze %dma_start3A_36 : memref<1x640x32xf32, #tpu.memory_space<hbm>> -> memref<640x32xf32, #tpu.memory_space<hbm>>
      %dma_start3A_38 = arith.constant 0 : i32
      %dma_start3A_39 = tpu.memref_slice %arg10[%mul3A_32, %dma_start3A_38] : memref<10240x32xf32, #tpu.memory_space<vmem_shared>> -> memref<640x32xf32, #tpu.memory_space<vmem_shared>>
      tpu.enqueue_dma source(%dma_start3A_39 : memref<640x32xf32, #tpu.memory_space<vmem_shared>>) target(%dma_start3A_37 : memref<640x32xf32, #tpu.memory_space<hbm>>) target_semaphore(%run_scoped3A : memref<!tpu.dma_semaphore, #tpu.memory_space<semaphore_mem>>)
      %dma_wait3A = arith.constant 0 : i32
      %dma_wait3A_40 = tpu.memref_slice %arg5[%arg0, %mul3A_34, %dma_wait3A] : memref<2x10240x32xf32, #tpu.memory_space<hbm>> -> memref<1x640x32xf32, #tpu.memory_space<hbm>>
      %dma_wait3A_41 = tpu.memref_squeeze %dma_wait3A_40 : memref<1x640x32xf32, #tpu.memory_space<hbm>> -> memref<640x32xf32, #tpu.memory_space<hbm>>
      %dma_wait3A_42 = arith.constant 0 : i32
      %dma_wait3A_43 = tpu.memref_slice %arg10[%mul3A_32, %dma_wait3A_42] : memref<10240x32xf32, #tpu.memory_space<vmem_shared>> -> memref<640x32xf32, #tpu.memory_space<vmem_shared>>
      tpu.wait_dma2 semaphore(%run_scoped3A : memref<!tpu.dma_semaphore, #tpu.memory_space<semaphore_mem>>) src(%dma_wait3A_43 : memref<640x32xf32, #tpu.memory_space<vmem_shared>>) dst(%dma_wait3A_41 : memref<640x32xf32, #tpu.memory_space<hbm>>)
      tpu.yield
    }) : () -> ()
    return
  }
}

#map = affine_map<(d0, d1) -> (0, 0)>
#map1 = affine_map<(d0, d1) -> (0, 0, 0)>
module attributes {stable_mosaic.version = 14 : i64} {
  func.func @_sc_agg(%arg0: i32, %arg1: i32, %arg2: memref<10000x32xf32, #tpu.memory_space<hbm>>, %arg3: memref<32x80x128xi32, #tpu.memory_space<hbm>>, %arg4: memref<32x80x128xi32, #tpu.memory_space<hbm>>, %arg5: memref<2x10240x32xf32, #tpu.memory_space<hbm>>, %arg6: memref<80x128xi32, #tpu.memory_space<vmem>>, %arg7: memref<80x128xi32, #tpu.memory_space<vmem>>, %arg8: memref<2x128x32xf32, #tpu.memory_space<vmem>>, %arg9: memref<640x32xf32, #tpu.memory_space<vmem>>, %arg10: memref<10240x32xf32, #tpu.memory_space<vmem_shared>>, %arg11: memref<10000x32xf32, #tpu.memory_space<vmem_shared>>, %arg12: memref<!tpu.dma_semaphore, #tpu.memory_space<semaphore_mem>>, %arg13: memref<!tpu.dma_semaphore, #tpu.memory_space<semaphore_mem>>) attributes {dimension_semantics = [#tpu.dimension_semantics<core_parallel>, #tpu.dimension_semantics<subcore_parallel>], iteration_bounds = array<i64: 2, 16>, scalar_prefetch = 0 : i64, scratch_operands = 8 : i64, tpu.core_type = #tpu.core_type<sc_vector_subcore>, window_params = [{transform_indices = #map}, {transform_indices = #map1}, {transform_indices = #map1}, {transform_indices = #map1}]} {
    %mul3A = arith.constant 16 : i32
    %mul3A_0 = arith.muli %arg0, %mul3A : i32
    %add3A = arith.addi %mul3A_0, %arg1 : i32
    %broadcast_in_dim3A = arith.constant 0.000000e+00 : f32
    %broadcast_in_dim3A_1 = vector.broadcast %broadcast_in_dim3A : f32 to vector<16xf32>
    %scan3A = arith.constant 0 : i32
    %scan3A_2 = arith.constant 0 : i32
    %scan3A_3 = arith.constant 640 : i32
    %scan3A_4 = arith.addi %scan3A_2, %scan3A_3 : i32
    %scan3A_5 = arith.constant 1 : i32
    scf.for %scan3A_35 = %scan3A_2 to %scan3A_4 step %scan3A_5  : i32 {
      %swap3A = arith.index_cast %scan3A_35 : i32 to index
      %swap3A_36 = arith.constant 0 : index
      %swap3A_37 = tpu.vector_load %arg9[%swap3A, %swap3A_36] {strides = array<i32>} : memref<640x32xf32, #tpu.memory_space<vmem>>, vector<16xf32>,
      tpu.vector_store %arg9[%swap3A, %swap3A_36], %broadcast_in_dim3A_1 {strides = array<i32>} : memref<640x32xf32, #tpu.memory_space<vmem>>, vector<16xf32>,
      %swap3A_38 = arith.index_cast %scan3A_35 : i32 to index
      %swap3A_39 = arith.constant 16 : index
      %swap3A_40 = tpu.vector_load %arg9[%swap3A_38, %swap3A_39] {strides = array<i32>} : memref<640x32xf32, #tpu.memory_space<vmem>>, vector<16xf32>,
      tpu.vector_store %arg9[%swap3A_38, %swap3A_39], %broadcast_in_dim3A_1 {strides = array<i32>} : memref<640x32xf32, #tpu.memory_space<vmem>>, vector<16xf32>,
    }
    %scan3A_6 = arith.constant 640 : i32
    %mul3A_7 = arith.constant 640 : i32
    %mul3A_8 = arith.muli %arg1, %mul3A_7 : i32
    "tpu.region"() ({
      %run_scoped3A = tpu.sem_alloc : memref<!tpu.dma_semaphore, #tpu.memory_space<semaphore_mem>>
      %dma_start3A_35 = arith.constant 0 : i32
      %dma_start3A_36 = tpu.memref_slice %arg10[%mul3A_8, %dma_start3A_35] : memref<10240x32xf32, #tpu.memory_space<vmem_shared>> -> memref<640x32xf32, #tpu.memory_space<vmem_shared>>
      %dma_start3A_37 = arith.constant 0 : i32
      %dma_start3A_38 = tpu.memref_slice %arg10[%mul3A_8, %dma_start3A_37] : memref<10240x32xf32, #tpu.memory_space<vmem_shared>> -> memref<640x32xf32, #tpu.memory_space<vmem_shared>>
      tpu.enqueue_dma source(%arg9 : memref<640x32xf32, #tpu.memory_space<vmem>>) target(%dma_start3A_38 : memref<640x32xf32, #tpu.memory_space<vmem_shared>>) target_semaphore(%run_scoped3A : memref<!tpu.dma_semaphore, #tpu.memory_space<semaphore_mem>>)
      %dma_wait3A = arith.constant 0 : i32
      %dma_wait3A_39 = tpu.memref_slice %arg10[%mul3A_8, %dma_wait3A] : memref<10240x32xf32, #tpu.memory_space<vmem_shared>> -> memref<640x32xf32, #tpu.memory_space<vmem_shared>>
      %dma_wait3A_40 = arith.constant 0 : i32
      %dma_wait3A_41 = tpu.memref_slice %arg10[%mul3A_8, %dma_wait3A_40] : memref<10240x32xf32, #tpu.memory_space<vmem_shared>> -> memref<640x32xf32, #tpu.memory_space<vmem_shared>>
      tpu.wait_dma2 semaphore(%run_scoped3A : memref<!tpu.dma_semaphore, #tpu.memory_space<semaphore_mem>>) src(%arg9 : memref<640x32xf32, #tpu.memory_space<vmem>>) dst(%dma_wait3A_41 : memref<640x32xf32, #tpu.memory_space<vmem_shared>>)
      tpu.yield
    }) : () -> ()
    %mul3A_9 = arith.constant 625 : i32
    %mul3A_10 = arith.muli %arg1, %mul3A_9 : i32
    %mul3A_11 = arith.constant 625 : i32
    %mul3A_12 = arith.muli %arg1, %mul3A_11 : i32
    "tpu.region"() ({
      %run_scoped3A = tpu.sem_alloc : memref<!tpu.dma_semaphore, #tpu.memory_space<semaphore_mem>>
      %dma_start3A_35 = arith.constant 0 : i32
      %dma_start3A_36 = tpu.memref_slice %arg11[%mul3A_12, %dma_start3A_35] : memref<10000x32xf32, #tpu.memory_space<vmem_shared>> -> memref<625x32xf32, #tpu.memory_space<vmem_shared>>
      %dma_start3A_37 = arith.constant 0 : i32
      %dma_start3A_38 = tpu.memref_slice %arg2[%mul3A_10, %dma_start3A_37] : memref<10000x32xf32, #tpu.memory_space<hbm>> -> memref<625x32xf32, #tpu.memory_space<hbm>>
      tpu.enqueue_dma source(%dma_start3A_38 : memref<625x32xf32, #tpu.memory_space<hbm>>) target(%dma_start3A_36 : memref<625x32xf32, #tpu.memory_space<vmem_shared>>) target_semaphore(%run_scoped3A : memref<!tpu.dma_semaphore, #tpu.memory_space<semaphore_mem>>)
      %dma_wait3A = arith.constant 0 : i32
      %dma_wait3A_39 = tpu.memref_slice %arg11[%mul3A_12, %dma_wait3A] : memref<10000x32xf32, #tpu.memory_space<vmem_shared>> -> memref<625x32xf32, #tpu.memory_space<vmem_shared>>
      %dma_wait3A_40 = arith.constant 0 : i32
      %dma_wait3A_41 = tpu.memref_slice %arg2[%mul3A_10, %dma_wait3A_40] : memref<10000x32xf32, #tpu.memory_space<hbm>> -> memref<625x32xf32, #tpu.memory_space<hbm>>
      tpu.wait_dma2 semaphore(%run_scoped3A : memref<!tpu.dma_semaphore, #tpu.memory_space<semaphore_mem>>) src(%dma_wait3A_41 : memref<625x32xf32, #tpu.memory_space<hbm>>) dst(%dma_wait3A_39 : memref<625x32xf32, #tpu.memory_space<vmem_shared>>)
      tpu.yield
    }) : () -> ()
    %barrier3A = arith.constant 0 : index
    tpu.barrier barrier_id(%barrier3A)
    "tpu.region"() ({
      %run_scoped3A = tpu.sem_alloc : memref<!tpu.dma_semaphore, #tpu.memory_space<semaphore_mem>>
      %dma_start3A_35 = arith.constant 0 : i32
      %dma_start3A_36 = arith.constant 0 : i32
      %dma_start3A_37 = tpu.memref_slice %arg3[%add3A, %dma_start3A_35, %dma_start3A_36] : memref<32x80x128xi32, #tpu.memory_space<hbm>> -> memref<1x80x128xi32, #tpu.memory_space<hbm>>
      %dma_start3A_38 = tpu.memref_squeeze %dma_start3A_37 : memref<1x80x128xi32, #tpu.memory_space<hbm>> -> memref<80x128xi32, #tpu.memory_space<hbm>>
      %dma_start3A_39 = arith.constant 0 : i32
      %dma_start3A_40 = arith.constant 0 : i32
      %dma_start3A_41 = tpu.memref_slice %arg3[%add3A, %dma_start3A_39, %dma_start3A_40] : memref<32x80x128xi32, #tpu.memory_space<hbm>> -> memref<1x80x128xi32, #tpu.memory_space<hbm>>
      %dma_start3A_42 = tpu.memref_squeeze %dma_start3A_41 : memref<1x80x128xi32, #tpu.memory_space<hbm>> -> memref<80x128xi32, #tpu.memory_space<hbm>>
      tpu.enqueue_dma source(%dma_start3A_42 : memref<80x128xi32, #tpu.memory_space<hbm>>) target(%arg6 : memref<80x128xi32, #tpu.memory_space<vmem>>) target_semaphore(%run_scoped3A : memref<!tpu.dma_semaphore, #tpu.memory_space<semaphore_mem>>)
      %dma_wait3A = arith.constant 0 : i32
      %dma_wait3A_43 = arith.constant 0 : i32
      %dma_wait3A_44 = tpu.memref_slice %arg3[%add3A, %dma_wait3A, %dma_wait3A_43] : memref<32x80x128xi32, #tpu.memory_space<hbm>> -> memref<1x80x128xi32, #tpu.memory_space<hbm>>
      %dma_wait3A_45 = tpu.memref_squeeze %dma_wait3A_44 : memref<1x80x128xi32, #tpu.memory_space<hbm>> -> memref<80x128xi32, #tpu.memory_space<hbm>>
      %dma_wait3A_46 = arith.constant 0 : i32
      %dma_wait3A_47 = arith.constant 0 : i32
      %dma_wait3A_48 = tpu.memref_slice %arg3[%add3A, %dma_wait3A_46, %dma_wait3A_47] : memref<32x80x128xi32, #tpu.memory_space<hbm>> -> memref<1x80x128xi32, #tpu.memory_space<hbm>>
      %dma_wait3A_49 = tpu.memref_squeeze %dma_wait3A_48 : memref<1x80x128xi32, #tpu.memory_space<hbm>> -> memref<80x128xi32, #tpu.memory_space<hbm>>
      tpu.wait_dma2 semaphore(%run_scoped3A : memref<!tpu.dma_semaphore, #tpu.memory_space<semaphore_mem>>) src(%dma_wait3A_49 : memref<80x128xi32, #tpu.memory_space<hbm>>) dst(%arg6 : memref<80x128xi32, #tpu.memory_space<vmem>>)
      tpu.yield
    }) : () -> ()
    "tpu.region"() ({
      %run_scoped3A = tpu.sem_alloc : memref<!tpu.dma_semaphore, #tpu.memory_space<semaphore_mem>>
      %dma_start3A_35 = arith.constant 0 : i32
      %dma_start3A_36 = arith.constant 0 : i32
      %dma_start3A_37 = tpu.memref_slice %arg4[%add3A, %dma_start3A_35, %dma_start3A_36] : memref<32x80x128xi32, #tpu.memory_space<hbm>> -> memref<1x80x128xi32, #tpu.memory_space<hbm>>
      %dma_start3A_38 = tpu.memref_squeeze %dma_start3A_37 : memref<1x80x128xi32, #tpu.memory_space<hbm>> -> memref<80x128xi32, #tpu.memory_space<hbm>>
      %dma_start3A_39 = arith.constant 0 : i32
      %dma_start3A_40 = arith.constant 0 : i32
      %dma_start3A_41 = tpu.memref_slice %arg4[%add3A, %dma_start3A_39, %dma_start3A_40] : memref<32x80x128xi32, #tpu.memory_space<hbm>> -> memref<1x80x128xi32, #tpu.memory_space<hbm>>
      %dma_start3A_42 = tpu.memref_squeeze %dma_start3A_41 : memref<1x80x128xi32, #tpu.memory_space<hbm>> -> memref<80x128xi32, #tpu.memory_space<hbm>>
      tpu.enqueue_dma source(%dma_start3A_42 : memref<80x128xi32, #tpu.memory_space<hbm>>) target(%arg7 : memref<80x128xi32, #tpu.memory_space<vmem>>) target_semaphore(%run_scoped3A : memref<!tpu.dma_semaphore, #tpu.memory_space<semaphore_mem>>)
      %dma_wait3A = arith.constant 0 : i32
      %dma_wait3A_43 = arith.constant 0 : i32
      %dma_wait3A_44 = tpu.memref_slice %arg4[%add3A, %dma_wait3A, %dma_wait3A_43] : memref<32x80x128xi32, #tpu.memory_space<hbm>> -> memref<1x80x128xi32, #tpu.memory_space<hbm>>
      %dma_wait3A_45 = tpu.memref_squeeze %dma_wait3A_44 : memref<1x80x128xi32, #tpu.memory_space<hbm>> -> memref<80x128xi32, #tpu.memory_space<hbm>>
      %dma_wait3A_46 = arith.constant 0 : i32
      %dma_wait3A_47 = arith.constant 0 : i32
      %dma_wait3A_48 = tpu.memref_slice %arg4[%add3A, %dma_wait3A_46, %dma_wait3A_47] : memref<32x80x128xi32, #tpu.memory_space<hbm>> -> memref<1x80x128xi32, #tpu.memory_space<hbm>>
      %dma_wait3A_49 = tpu.memref_squeeze %dma_wait3A_48 : memref<1x80x128xi32, #tpu.memory_space<hbm>> -> memref<80x128xi32, #tpu.memory_space<hbm>>
      tpu.wait_dma2 semaphore(%run_scoped3A : memref<!tpu.dma_semaphore, #tpu.memory_space<semaphore_mem>>) src(%dma_wait3A_49 : memref<80x128xi32, #tpu.memory_space<hbm>>) dst(%arg7 : memref<80x128xi32, #tpu.memory_space<vmem>>)
      tpu.yield
    }) : () -> ()
    %dma_start3A = arith.constant 0 : i32
    %dma_start3A_13 = arith.constant 0 : i32
    %dma_start3A_14 = arith.constant 0 : i32
    %dma_start3A_15 = arith.constant 0 : i32
    %dma_start3A_16 = tpu.memref_slice %arg8[%dma_start3A_13, %dma_start3A_14, %dma_start3A_15] : memref<2x128x32xf32, #tpu.memory_space<vmem>> -> memref<1x128x32xf32, #tpu.memory_space<vmem>>
    %dma_start3A_17 = tpu.memref_squeeze %dma_start3A_16 : memref<1x128x32xf32, #tpu.memory_space<vmem>> -> memref<128x32xf32, #tpu.memory_space<vmem>>
    %dma_start3A_18 = arith.constant 0 : i32
    %dma_start3A_19 = tpu.memref_slice %arg6[%dma_start3A, %dma_start3A_18] : memref<80x128xi32, #tpu.memory_space<vmem>> -> memref<1x128xi32, #tpu.memory_space<vmem>>
    %dma_start3A_20 = tpu.memref_squeeze %dma_start3A_19 : memref<1x128xi32, #tpu.memory_space<vmem>> -> memref<128xi32, #tpu.memory_space<vmem>>
    %dma_start3A_21 = arith.constant 0 : i32
    %dma_start3A_22 = arith.constant 0 : i32
    %dma_start3A_23 = tpu.memref_slice %arg11[%dma_start3A_21, %dma_start3A_22] : memref<10000x32xf32, #tpu.memory_space<vmem_shared>> -> memref<10000x32xf32, #tpu.memory_space<vmem_shared>>
    tpu.enqueue_indirect_dma source(%dma_start3A_23 : memref<10000x32xf32, #tpu.memory_space<vmem_shared>>) target(%dma_start3A_17 : memref<128x32xf32, #tpu.memory_space<vmem>>) offsets(%dma_start3A_20 : memref<128xi32, #tpu.memory_space<vmem>>) semaphore(%arg12 : memref<!tpu.dma_semaphore, #tpu.memory_space<semaphore_mem>>)
    %scan3A_24 = arith.constant 0 : i32
    %scan3A_25 = arith.constant 0 : i32
    %scan3A_26 = arith.constant 40 : i32
    %scan3A_27 = arith.addi %scan3A_25, %scan3A_26 : i32
    %scan3A_28 = arith.constant 1 : i32
    scf.for %scan3A_35 = %scan3A_25 to %scan3A_27 step %scan3A_28  : i32 {
      %mul3A_36 = arith.constant 2 : i32
      %mul3A_37 = arith.muli %mul3A_36, %scan3A_35 : i32
      %dma_wait3A = arith.constant 0 : i32
      %dma_wait3A_38 = arith.constant 0 : i32
      %dma_wait3A_39 = arith.constant 0 : i32
      %dma_wait3A_40 = tpu.memref_slice %arg8[%dma_wait3A, %dma_wait3A_38, %dma_wait3A_39] : memref<2x128x32xf32, #tpu.memory_space<vmem>> -> memref<1x128x32xf32, #tpu.memory_space<vmem>>
      %dma_wait3A_41 = tpu.memref_squeeze %dma_wait3A_40 : memref<1x128x32xf32, #tpu.memory_space<vmem>> -> memref<128x32xf32, #tpu.memory_space<vmem>>
      %dma_wait3A_42 = arith.constant 0 : i32
      %dma_wait3A_43 = tpu.memref_slice %arg6[%mul3A_37, %dma_wait3A_42] : memref<80x128xi32, #tpu.memory_space<vmem>> -> memref<1x128xi32, #tpu.memory_space<vmem>>
      %dma_wait3A_44 = tpu.memref_squeeze %dma_wait3A_43 : memref<1x128xi32, #tpu.memory_space<vmem>> -> memref<128xi32, #tpu.memory_space<vmem>>
      %dma_wait3A_45 = arith.constant 0 : i32
      %dma_wait3A_46 = arith.constant 0 : i32
      %dma_wait3A_47 = tpu.memref_slice %arg11[%dma_wait3A_45, %dma_wait3A_46] : memref<10000x32xf32, #tpu.memory_space<vmem_shared>> -> memref<10000x32xf32, #tpu.memory_space<vmem_shared>>
      tpu.wait_indirect_dma semaphore(%arg12 : memref<!tpu.dma_semaphore, #tpu.memory_space<semaphore_mem>>) src(%dma_wait3A_47 : memref<10000x32xf32, #tpu.memory_space<vmem_shared>>) dst(%dma_wait3A_41 : memref<128x32xf32, #tpu.memory_space<vmem>>)
      %add3A_48 = arith.constant 1 : i32
      %add3A_49 = arith.addi %mul3A_37, %add3A_48 : i32
      %dma_start3A_50 = arith.constant 1 : i32
      %dma_start3A_51 = arith.constant 0 : i32
      %dma_start3A_52 = arith.constant 0 : i32
      %dma_start3A_53 = tpu.memref_slice %arg8[%dma_start3A_50, %dma_start3A_51, %dma_start3A_52] : memref<2x128x32xf32, #tpu.memory_space<vmem>> -> memref<1x128x32xf32, #tpu.memory_space<vmem>>
      %dma_start3A_54 = tpu.memref_squeeze %dma_start3A_53 : memref<1x128x32xf32, #tpu.memory_space<vmem>> -> memref<128x32xf32, #tpu.memory_space<vmem>>
      %dma_start3A_55 = arith.constant 0 : i32
      %dma_start3A_56 = tpu.memref_slice %arg6[%add3A_49, %dma_start3A_55] : memref<80x128xi32, #tpu.memory_space<vmem>> -> memref<1x128xi32, #tpu.memory_space<vmem>>
      %dma_start3A_57 = tpu.memref_squeeze %dma_start3A_56 : memref<1x128xi32, #tpu.memory_space<vmem>> -> memref<128xi32, #tpu.memory_space<vmem>>
      %dma_start3A_58 = arith.constant 0 : i32
      %dma_start3A_59 = arith.constant 0 : i32
      %dma_start3A_60 = tpu.memref_slice %arg11[%dma_start3A_58, %dma_start3A_59] : memref<10000x32xf32, #tpu.memory_space<vmem_shared>> -> memref<10000x32xf32, #tpu.memory_space<vmem_shared>>
      tpu.enqueue_indirect_dma source(%dma_start3A_60 : memref<10000x32xf32, #tpu.memory_space<vmem_shared>>) target(%dma_start3A_54 : memref<128x32xf32, #tpu.memory_space<vmem>>) offsets(%dma_start3A_57 : memref<128xi32, #tpu.memory_space<vmem>>) semaphore(%arg13 : memref<!tpu.dma_semaphore, #tpu.memory_space<semaphore_mem>>)
      %run_scoped3A = arith.constant 0 : i32
      "tpu.region"() ({
        %run_scoped3A_79 = tpu.sem_alloc : memref<!tpu.dma_semaphore, #tpu.memory_space<semaphore_mem>>
        %dma_start3A_80 = arith.constant 0 : i32
        %dma_start3A_81 = arith.constant 0 : i32
        %dma_start3A_82 = tpu.memref_slice %arg8[%run_scoped3A, %dma_start3A_80, %dma_start3A_81] : memref<2x128x32xf32, #tpu.memory_space<vmem>> -> memref<1x128x32xf32, #tpu.memory_space<vmem>>
        %dma_start3A_83 = tpu.memref_squeeze %dma_start3A_82 : memref<1x128x32xf32, #tpu.memory_space<vmem>> -> memref<128x32xf32, #tpu.memory_space<vmem>>
        %dma_start3A_84 = arith.constant 0 : i32
        %dma_start3A_85 = tpu.memref_slice %arg7[%mul3A_37, %dma_start3A_84] : memref<80x128xi32, #tpu.memory_space<vmem>> -> memref<1x128xi32, #tpu.memory_space<vmem>>
        %dma_start3A_86 = tpu.memref_squeeze %dma_start3A_85 : memref<1x128xi32, #tpu.memory_space<vmem>> -> memref<128xi32, #tpu.memory_space<vmem>>
        %dma_start3A_87 = arith.constant 0 : i32
        %dma_start3A_88 = arith.constant 0 : i32
        %dma_start3A_89 = tpu.memref_slice %arg10[%dma_start3A_87, %dma_start3A_88] : memref<10240x32xf32, #tpu.memory_space<vmem_shared>> -> memref<10240x32xf32, #tpu.memory_space<vmem_shared>>
        tpu.enqueue_indirect_dma source(%dma_start3A_83 : memref<128x32xf32, #tpu.memory_space<vmem>>) target(%dma_start3A_89 : memref<10240x32xf32, #tpu.memory_space<vmem_shared>>) offsets(%dma_start3A_86 : memref<128xi32, #tpu.memory_space<vmem>>) semaphore(%run_scoped3A_79 : memref<!tpu.dma_semaphore, #tpu.memory_space<semaphore_mem>>) {add = true}
        %dma_wait3A_90 = arith.constant 0 : i32
        %dma_wait3A_91 = arith.constant 0 : i32
        %dma_wait3A_92 = tpu.memref_slice %arg8[%run_scoped3A, %dma_wait3A_90, %dma_wait3A_91] : memref<2x128x32xf32, #tpu.memory_space<vmem>> -> memref<1x128x32xf32, #tpu.memory_space<vmem>>
        %dma_wait3A_93 = tpu.memref_squeeze %dma_wait3A_92 : memref<1x128x32xf32, #tpu.memory_space<vmem>> -> memref<128x32xf32, #tpu.memory_space<vmem>>
        %dma_wait3A_94 = arith.constant 0 : i32
        %dma_wait3A_95 = tpu.memref_slice %arg7[%mul3A_37, %dma_wait3A_94] : memref<80x128xi32, #tpu.memory_space<vmem>> -> memref<1x128xi32, #tpu.memory_space<vmem>>
        %dma_wait3A_96 = tpu.memref_squeeze %dma_wait3A_95 : memref<1x128xi32, #tpu.memory_space<vmem>> -> memref<128xi32, #tpu.memory_space<vmem>>
        %dma_wait3A_97 = arith.constant 0 : i32
        %dma_wait3A_98 = arith.constant 0 : i32
        %dma_wait3A_99 = tpu.memref_slice %arg10[%dma_wait3A_97, %dma_wait3A_98] : memref<10240x32xf32, #tpu.memory_space<vmem_shared>> -> memref<10240x32xf32, #tpu.memory_space<vmem_shared>>
        tpu.wait_indirect_dma semaphore(%run_scoped3A_79 : memref<!tpu.dma_semaphore, #tpu.memory_space<semaphore_mem>>) src(%dma_wait3A_93 : memref<128x32xf32, #tpu.memory_space<vmem>>) dst(%dma_wait3A_99 : memref<10240x32xf32, #tpu.memory_space<vmem_shared>>)
        tpu.yield
      }) : () -> ()
      %add3A_61 = arith.constant 1 : i32
      %add3A_62 = arith.addi %mul3A_37, %add3A_61 : i32
      %dma_wait3A_63 = arith.constant 1 : i32
      %dma_wait3A_64 = arith.constant 0 : i32
      %dma_wait3A_65 = arith.constant 0 : i32
      %dma_wait3A_66 = tpu.memref_slice %arg8[%dma_wait3A_63, %dma_wait3A_64, %dma_wait3A_65] : memref<2x128x32xf32, #tpu.memory_space<vmem>> -> memref<1x128x32xf32, #tpu.memory_space<vmem>>
      %dma_wait3A_67 = tpu.memref_squeeze %dma_wait3A_66 : memref<1x128x32xf32, #tpu.memory_space<vmem>> -> memref<128x32xf32, #tpu.memory_space<vmem>>
      %dma_wait3A_68 = arith.constant 0 : i32
      %dma_wait3A_69 = tpu.memref_slice %arg6[%add3A_62, %dma_wait3A_68] : memref<80x128xi32, #tpu.memory_space<vmem>> -> memref<1x128xi32, #tpu.memory_space<vmem>>
      %dma_wait3A_70 = tpu.memref_squeeze %dma_wait3A_69 : memref<1x128xi32, #tpu.memory_space<vmem>> -> memref<128xi32, #tpu.memory_space<vmem>>
      %dma_wait3A_71 = arith.constant 0 : i32
      %dma_wait3A_72 = arith.constant 0 : i32
      %dma_wait3A_73 = tpu.memref_slice %arg11[%dma_wait3A_71, %dma_wait3A_72] : memref<10000x32xf32, #tpu.memory_space<vmem_shared>> -> memref<10000x32xf32, #tpu.memory_space<vmem_shared>>
      tpu.wait_indirect_dma semaphore(%arg13 : memref<!tpu.dma_semaphore, #tpu.memory_space<semaphore_mem>>) src(%dma_wait3A_73 : memref<10000x32xf32, #tpu.memory_space<vmem_shared>>) dst(%dma_wait3A_67 : memref<128x32xf32, #tpu.memory_space<vmem>>)
      %lt3A = arith.constant 39 : i32
      %lt3A_74 = arith.cmpi slt, %scan3A_35, %lt3A : i32
      %convert_element_type3A = arith.extui %lt3A_74 : i1 to i32
      %cond3A = arith.constant 0 : i32
      %cond3A_75 = arith.cmpi ne, %convert_element_type3A, %cond3A : i32
      scf.if %cond3A_75 {
        %add3A_79 = arith.constant 2 : i32
        %add3A_80 = arith.addi %mul3A_37, %add3A_79 : i32
        %dma_start3A_81 = arith.constant 0 : i32
        %dma_start3A_82 = arith.constant 0 : i32
        %dma_start3A_83 = arith.constant 0 : i32
        %dma_start3A_84 = tpu.memref_slice %arg8[%dma_start3A_81, %dma_start3A_82, %dma_start3A_83] : memref<2x128x32xf32, #tpu.memory_space<vmem>> -> memref<1x128x32xf32, #tpu.memory_space<vmem>>
        %dma_start3A_85 = tpu.memref_squeeze %dma_start3A_84 : memref<1x128x32xf32, #tpu.memory_space<vmem>> -> memref<128x32xf32, #tpu.memory_space<vmem>>
        %dma_start3A_86 = arith.constant 0 : i32
        %dma_start3A_87 = tpu.memref_slice %arg6[%add3A_80, %dma_start3A_86] : memref<80x128xi32, #tpu.memory_space<vmem>> -> memref<1x128xi32, #tpu.memory_space<vmem>>
        %dma_start3A_88 = tpu.memref_squeeze %dma_start3A_87 : memref<1x128xi32, #tpu.memory_space<vmem>> -> memref<128xi32, #tpu.memory_space<vmem>>
        %dma_start3A_89 = arith.constant 0 : i32
        %dma_start3A_90 = arith.constant 0 : i32
        %dma_start3A_91 = tpu.memref_slice %arg11[%dma_start3A_89, %dma_start3A_90] : memref<10000x32xf32, #tpu.memory_space<vmem_shared>> -> memref<10000x32xf32, #tpu.memory_space<vmem_shared>>
        tpu.enqueue_indirect_dma source(%dma_start3A_91 : memref<10000x32xf32, #tpu.memory_space<vmem_shared>>) target(%dma_start3A_85 : memref<128x32xf32, #tpu.memory_space<vmem>>) offsets(%dma_start3A_88 : memref<128xi32, #tpu.memory_space<vmem>>) semaphore(%arg12 : memref<!tpu.dma_semaphore, #tpu.memory_space<semaphore_mem>>)
      } else {
      }
      %add3A_76 = arith.constant 1 : i32
      %add3A_77 = arith.addi %mul3A_37, %add3A_76 : i32
      %run_scoped3A_78 = arith.constant 1 : i32
      "tpu.region"() ({
        %run_scoped3A_79 = tpu.sem_alloc : memref<!tpu.dma_semaphore, #tpu.memory_space<semaphore_mem>>
        %dma_start3A_80 = arith.constant 0 : i32
        %dma_start3A_81 = arith.constant 0 : i32
        %dma_start3A_82 = tpu.memref_slice %arg8[%run_scoped3A_78, %dma_start3A_80, %dma_start3A_81] : memref<2x128x32xf32, #tpu.memory_space<vmem>> -> memref<1x128x32xf32, #tpu.memory_space<vmem>>
        %dma_start3A_83 = tpu.memref_squeeze %dma_start3A_82 : memref<1x128x32xf32, #tpu.memory_space<vmem>> -> memref<128x32xf32, #tpu.memory_space<vmem>>
        %dma_start3A_84 = arith.constant 0 : i32
        %dma_start3A_85 = tpu.memref_slice %arg7[%add3A_77, %dma_start3A_84] : memref<80x128xi32, #tpu.memory_space<vmem>> -> memref<1x128xi32, #tpu.memory_space<vmem>>
        %dma_start3A_86 = tpu.memref_squeeze %dma_start3A_85 : memref<1x128xi32, #tpu.memory_space<vmem>> -> memref<128xi32, #tpu.memory_space<vmem>>
        %dma_start3A_87 = arith.constant 0 : i32
        %dma_start3A_88 = arith.constant 0 : i32
        %dma_start3A_89 = tpu.memref_slice %arg10[%dma_start3A_87, %dma_start3A_88] : memref<10240x32xf32, #tpu.memory_space<vmem_shared>> -> memref<10240x32xf32, #tpu.memory_space<vmem_shared>>
        tpu.enqueue_indirect_dma source(%dma_start3A_83 : memref<128x32xf32, #tpu.memory_space<vmem>>) target(%dma_start3A_89 : memref<10240x32xf32, #tpu.memory_space<vmem_shared>>) offsets(%dma_start3A_86 : memref<128xi32, #tpu.memory_space<vmem>>) semaphore(%run_scoped3A_79 : memref<!tpu.dma_semaphore, #tpu.memory_space<semaphore_mem>>) {add = true}
        %dma_wait3A_90 = arith.constant 0 : i32
        %dma_wait3A_91 = arith.constant 0 : i32
        %dma_wait3A_92 = tpu.memref_slice %arg8[%run_scoped3A_78, %dma_wait3A_90, %dma_wait3A_91] : memref<2x128x32xf32, #tpu.memory_space<vmem>> -> memref<1x128x32xf32, #tpu.memory_space<vmem>>
        %dma_wait3A_93 = tpu.memref_squeeze %dma_wait3A_92 : memref<1x128x32xf32, #tpu.memory_space<vmem>> -> memref<128x32xf32, #tpu.memory_space<vmem>>
        %dma_wait3A_94 = arith.constant 0 : i32
        %dma_wait3A_95 = tpu.memref_slice %arg7[%add3A_77, %dma_wait3A_94] : memref<80x128xi32, #tpu.memory_space<vmem>> -> memref<1x128xi32, #tpu.memory_space<vmem>>
        %dma_wait3A_96 = tpu.memref_squeeze %dma_wait3A_95 : memref<1x128xi32, #tpu.memory_space<vmem>> -> memref<128xi32, #tpu.memory_space<vmem>>
        %dma_wait3A_97 = arith.constant 0 : i32
        %dma_wait3A_98 = arith.constant 0 : i32
        %dma_wait3A_99 = tpu.memref_slice %arg10[%dma_wait3A_97, %dma_wait3A_98] : memref<10240x32xf32, #tpu.memory_space<vmem_shared>> -> memref<10240x32xf32, #tpu.memory_space<vmem_shared>>
        tpu.wait_indirect_dma semaphore(%run_scoped3A_79 : memref<!tpu.dma_semaphore, #tpu.memory_space<semaphore_mem>>) src(%dma_wait3A_93 : memref<128x32xf32, #tpu.memory_space<vmem>>) dst(%dma_wait3A_99 : memref<10240x32xf32, #tpu.memory_space<vmem_shared>>)
        tpu.yield
      }) : () -> ()
    }
    %scan3A_29 = arith.constant 40 : i32
    %barrier3A_30 = arith.constant 0 : index
    tpu.barrier barrier_id(%barrier3A_30)
    %mul3A_31 = arith.constant 640 : i32
    %mul3A_32 = arith.muli %arg1, %mul3A_31 : i32
    %mul3A_33 = arith.constant 640 : i32
    %mul3A_34 = arith.muli %arg1, %mul3A_33 : i32
    "tpu.region"() ({
      %run_scoped3A = tpu.sem_alloc : memref<!tpu.dma_semaphore, #tpu.memory_space<semaphore_mem>>
      %dma_start3A_35 = arith.constant 0 : i32
      %dma_start3A_36 = tpu.memref_slice %arg5[%arg0, %mul3A_34, %dma_start3A_35] : memref<2x10240x32xf32, #tpu.memory_space<hbm>> -> memref<1x640x32xf32, #tpu.memory_space<hbm>>
      %dma_start3A_37 = tpu.memref_squeeze %dma_start3A_36 : memref<1x640x32xf32, #tpu.memory_space<hbm>> -> memref<640x32xf32, #tpu.memory_space<hbm>>
      %dma_start3A_38 = arith.constant 0 : i32
      %dma_start3A_39 = tpu.memref_slice %arg10[%mul3A_32, %dma_start3A_38] : memref<10240x32xf32, #tpu.memory_space<vmem_shared>> -> memref<640x32xf32, #tpu.memory_space<vmem_shared>>
      tpu.enqueue_dma source(%dma_start3A_39 : memref<640x32xf32, #tpu.memory_space<vmem_shared>>) target(%dma_start3A_37 : memref<640x32xf32, #tpu.memory_space<hbm>>) target_semaphore(%run_scoped3A : memref<!tpu.dma_semaphore, #tpu.memory_space<semaphore_mem>>)
      %dma_wait3A = arith.constant 0 : i32
      %dma_wait3A_40 = tpu.memref_slice %arg5[%arg0, %mul3A_34, %dma_wait3A] : memref<2x10240x32xf32, #tpu.memory_space<hbm>> -> memref<1x640x32xf32, #tpu.memory_space<hbm>>
      %dma_wait3A_41 = tpu.memref_squeeze %dma_wait3A_40 : memref<1x640x32xf32, #tpu.memory_space<hbm>> -> memref<640x32xf32, #tpu.memory_space<hbm>>
      %dma_wait3A_42 = arith.constant 0 : i32
      %dma_wait3A_43 = tpu.memref_slice %arg10[%mul3A_32, %dma_wait3A_42] : memref<10240x32xf32, #tpu.memory_space<vmem_shared>> -> memref<640x32xf32, #tpu.memory_space<vmem_shared>>
      tpu.wait_dma2 semaphore(%run_scoped3A : memref<!tpu.dma_semaphore, #tpu.memory_space<semaphore_mem>>) src(%dma_wait3A_43 : memref<640x32xf32, #tpu.memory_space<vmem_shared>>) dst(%dma_wait3A_41 : memref<640x32xf32, #tpu.memory_space<hbm>>)
      tpu.yield
    }) : () -> ()
    return
  }
}

#map = affine_map<(d0, d1) -> (0, 0)>
module attributes {stable_mosaic.version = 14 : i64} {
  func.func @_sc_deg(%arg0: i32, %arg1: i32, %arg2: memref<32x10240xi32, #tpu.memory_space<hbm>>, %arg3: memref<32x10240xf32, #tpu.memory_space<hbm>>, %arg4: memref<10240xf32, #tpu.memory_space<vmem>>, %arg5: memref<10240xi32, #tpu.memory_space<vmem>>) attributes {dimension_semantics = [#tpu.dimension_semantics<core_parallel>, #tpu.dimension_semantics<subcore_parallel>], iteration_bounds = array<i64: 2, 16>, scalar_prefetch = 0 : i64, scratch_operands = 2 : i64, tpu.core_type = #tpu.core_type<sc_vector_subcore>, window_params = [{transform_indices = #map}, {transform_indices = #map}]} {
    %mul3A = arith.constant 16 : i32
    %mul3A_0 = arith.muli %arg0, %mul3A : i32
    %add3A = arith.addi %mul3A_0, %arg1 : i32
    %broadcast_in_dim3A = arith.constant 0.000000e+00 : f32
    %broadcast_in_dim3A_1 = vector.broadcast %broadcast_in_dim3A : f32 to vector<16xf32>
    %broadcast_in_dim3A_2 = arith.constant 1.000000e+00 : f32
    %broadcast_in_dim3A_3 = vector.broadcast %broadcast_in_dim3A_2 : f32 to vector<16xf32>
    %scan3A = arith.constant 0 : i32
    %scan3A_4 = arith.constant 0 : i32
    %scan3A_5 = arith.constant 640 : i32
    %scan3A_6 = arith.addi %scan3A_4, %scan3A_5 : i32
    %scan3A_7 = arith.constant 1 : i32
    scf.for %scan3A_15 = %scan3A_4 to %scan3A_6 step %scan3A_7  : i32 {
      %mul3A_16 = arith.constant 16 : i32
      %mul3A_17 = arith.muli %scan3A_15, %mul3A_16 : i32
      %swap3A = arith.index_cast %mul3A_17 : i32 to index
      %swap3A_18 = tpu.vector_load %arg4[%swap3A] {strides = array<i32>} : memref<10240xf32, #tpu.memory_space<vmem>>, vector<16xf32>,
      tpu.vector_store %arg4[%swap3A], %broadcast_in_dim3A_1 {strides = array<i32>} : memref<10240xf32, #tpu.memory_space<vmem>>, vector<16xf32>,
    }
    %scan3A_8 = arith.constant 640 : i32
    "tpu.region"() ({
      %run_scoped3A = tpu.sem_alloc : memref<!tpu.dma_semaphore, #tpu.memory_space<semaphore_mem>>
      %dma_start3A = arith.constant 0 : i32
      %dma_start3A_15 = tpu.memref_slice %arg2[%add3A, %dma_start3A] : memref<32x10240xi32, #tpu.memory_space<hbm>> -> memref<1x10240xi32, #tpu.memory_space<hbm>>
      %dma_start3A_16 = tpu.memref_squeeze %dma_start3A_15 : memref<1x10240xi32, #tpu.memory_space<hbm>> -> memref<10240xi32, #tpu.memory_space<hbm>>
      %dma_start3A_17 = arith.constant 0 : i32
      %dma_start3A_18 = tpu.memref_slice %arg2[%add3A, %dma_start3A_17] : memref<32x10240xi32, #tpu.memory_space<hbm>> -> memref<1x10240xi32, #tpu.memory_space<hbm>>
      %dma_start3A_19 = tpu.memref_squeeze %dma_start3A_18 : memref<1x10240xi32, #tpu.memory_space<hbm>> -> memref<10240xi32, #tpu.memory_space<hbm>>
      tpu.enqueue_dma source(%dma_start3A_19 : memref<10240xi32, #tpu.memory_space<hbm>>) target(%arg5 : memref<10240xi32, #tpu.memory_space<vmem>>) target_semaphore(%run_scoped3A : memref<!tpu.dma_semaphore, #tpu.memory_space<semaphore_mem>>)
      %dma_wait3A = arith.constant 0 : i32
      %dma_wait3A_20 = tpu.memref_slice %arg2[%add3A, %dma_wait3A] : memref<32x10240xi32, #tpu.memory_space<hbm>> -> memref<1x10240xi32, #tpu.memory_space<hbm>>
      %dma_wait3A_21 = tpu.memref_squeeze %dma_wait3A_20 : memref<1x10240xi32, #tpu.memory_space<hbm>> -> memref<10240xi32, #tpu.memory_space<hbm>>
      %dma_wait3A_22 = arith.constant 0 : i32
      %dma_wait3A_23 = tpu.memref_slice %arg2[%add3A, %dma_wait3A_22] : memref<32x10240xi32, #tpu.memory_space<hbm>> -> memref<1x10240xi32, #tpu.memory_space<hbm>>
      %dma_wait3A_24 = tpu.memref_squeeze %dma_wait3A_23 : memref<1x10240xi32, #tpu.memory_space<hbm>> -> memref<10240xi32, #tpu.memory_space<hbm>>
      tpu.wait_dma2 semaphore(%run_scoped3A : memref<!tpu.dma_semaphore, #tpu.memory_space<semaphore_mem>>) src(%dma_wait3A_24 : memref<10240xi32, #tpu.memory_space<hbm>>) dst(%arg5 : memref<10240xi32, #tpu.memory_space<vmem>>)
      tpu.yield
    }) : () -> ()
    %scan3A_9 = arith.constant 0 : i32
    %scan3A_10 = arith.constant 0 : i32
    %scan3A_11 = arith.constant 640 : i32
    %scan3A_12 = arith.addi %scan3A_10, %scan3A_11 : i32
    %scan3A_13 = arith.constant 1 : i32
    scf.for %scan3A_15 = %scan3A_10 to %scan3A_12 step %scan3A_13  : i32 {
      %mul3A_16 = arith.constant 16 : i32
      %mul3A_17 = arith.muli %scan3A_15, %mul3A_16 : i32
      %get3A = arith.index_cast %mul3A_17 : i32 to index
      %get3A_18 = tpu.vector_load %arg5[%get3A] {strides = array<i32>} : memref<10240xi32, #tpu.memory_space<vmem>>, vector<16xi32>,
      tpu.vector_store_idx %arg4[%get3A_18], %broadcast_in_dim3A_3 {add = true} : memref<10240xf32, #tpu.memory_space<vmem>>[vector<16xi32>], vector<16xf32>,
    }
    %scan3A_14 = arith.constant 640 : i32
    "tpu.region"() ({
      %run_scoped3A = tpu.sem_alloc : memref<!tpu.dma_semaphore, #tpu.memory_space<semaphore_mem>>
      %dma_start3A = arith.constant 0 : i32
      %dma_start3A_15 = tpu.memref_slice %arg3[%add3A, %dma_start3A] : memref<32x10240xf32, #tpu.memory_space<hbm>> -> memref<1x10240xf32, #tpu.memory_space<hbm>>
      %dma_start3A_16 = tpu.memref_squeeze %dma_start3A_15 : memref<1x10240xf32, #tpu.memory_space<hbm>> -> memref<10240xf32, #tpu.memory_space<hbm>>
      %dma_start3A_17 = arith.constant 0 : i32
      %dma_start3A_18 = tpu.memref_slice %arg3[%add3A, %dma_start3A_17] : memref<32x10240xf32, #tpu.memory_space<hbm>> -> memref<1x10240xf32, #tpu.memory_space<hbm>>
      %dma_start3A_19 = tpu.memref_squeeze %dma_start3A_18 : memref<1x10240xf32, #tpu.memory_space<hbm>> -> memref<10240xf32, #tpu.memory_space<hbm>>
      tpu.enqueue_dma source(%arg4 : memref<10240xf32, #tpu.memory_space<vmem>>) target(%dma_start3A_19 : memref<10240xf32, #tpu.memory_space<hbm>>) target_semaphore(%run_scoped3A : memref<!tpu.dma_semaphore, #tpu.memory_space<semaphore_mem>>)
      %dma_wait3A = arith.constant 0 : i32
      %dma_wait3A_20 = tpu.memref_slice %arg3[%add3A, %dma_wait3A] : memref<32x10240xf32, #tpu.memory_space<hbm>> -> memref<1x10240xf32, #tpu.memory_space<hbm>>
      %dma_wait3A_21 = tpu.memref_squeeze %dma_wait3A_20 : memref<1x10240xf32, #tpu.memory_space<hbm>> -> memref<10240xf32, #tpu.memory_space<hbm>>
      %dma_wait3A_22 = arith.constant 0 : i32
      %dma_wait3A_23 = tpu.memref_slice %arg3[%add3A, %dma_wait3A_22] : memref<32x10240xf32, #tpu.memory_space<hbm>> -> memref<1x10240xf32, #tpu.memory_space<hbm>>
      %dma_wait3A_24 = tpu.memref_squeeze %dma_wait3A_23 : memref<1x10240xf32, #tpu.memory_space<hbm>> -> memref<10240xf32, #tpu.memory_space<hbm>>
      tpu.wait_dma2 semaphore(%run_scoped3A : memref<!tpu.dma_semaphore, #tpu.memory_space<semaphore_mem>>) src(%arg4 : memref<10240xf32, #tpu.memory_space<vmem>>) dst(%dma_wait3A_24 : memref<10240xf32, #tpu.memory_space<hbm>>)
      tpu.yield
    }) : () -> ()
    return
  }
}

#map = affine_map<(d0, d1) -> (0, 0)>
#map1 = affine_map<(d0, d1) -> (0, 0, 0)>
module attributes {stable_mosaic.version = 14 : i64} {
  func.func @_sc_agg(%arg0: i32, %arg1: i32, %arg2: memref<10000x32xf32, #tpu.memory_space<hbm>>, %arg3: memref<32x80x128xi32, #tpu.memory_space<hbm>>, %arg4: memref<32x80x128xi32, #tpu.memory_space<hbm>>, %arg5: memref<2x10240x32xf32, #tpu.memory_space<hbm>>, %arg6: memref<80x128xi32, #tpu.memory_space<vmem>>, %arg7: memref<80x128xi32, #tpu.memory_space<vmem>>, %arg8: memref<2x128x32xf32, #tpu.memory_space<vmem>>, %arg9: memref<640x32xf32, #tpu.memory_space<vmem>>, %arg10: memref<10240x32xf32, #tpu.memory_space<vmem_shared>>, %arg11: memref<10000x32xf32, #tpu.memory_space<vmem_shared>>, %arg12: memref<!tpu.dma_semaphore, #tpu.memory_space<semaphore_mem>>, %arg13: memref<!tpu.dma_semaphore, #tpu.memory_space<semaphore_mem>>) attributes {dimension_semantics = [#tpu.dimension_semantics<core_parallel>, #tpu.dimension_semantics<subcore_parallel>], iteration_bounds = array<i64: 2, 16>, scalar_prefetch = 0 : i64, scratch_operands = 8 : i64, tpu.core_type = #tpu.core_type<sc_vector_subcore>, window_params = [{transform_indices = #map}, {transform_indices = #map1}, {transform_indices = #map1}, {transform_indices = #map1}]} {
    %mul3A = arith.constant 16 : i32
    %mul3A_0 = arith.muli %arg0, %mul3A : i32
    %add3A = arith.addi %mul3A_0, %arg1 : i32
    %broadcast_in_dim3A = arith.constant 0.000000e+00 : f32
    %broadcast_in_dim3A_1 = vector.broadcast %broadcast_in_dim3A : f32 to vector<16xf32>
    %scan3A = arith.constant 0 : i32
    %scan3A_2 = arith.constant 0 : i32
    %scan3A_3 = arith.constant 640 : i32
    %scan3A_4 = arith.addi %scan3A_2, %scan3A_3 : i32
    %scan3A_5 = arith.constant 1 : i32
    scf.for %scan3A_35 = %scan3A_2 to %scan3A_4 step %scan3A_5  : i32 {
      %swap3A = arith.index_cast %scan3A_35 : i32 to index
      %swap3A_36 = arith.constant 0 : index
      %swap3A_37 = tpu.vector_load %arg9[%swap3A, %swap3A_36] {strides = array<i32>} : memref<640x32xf32, #tpu.memory_space<vmem>>, vector<16xf32>,
      tpu.vector_store %arg9[%swap3A, %swap3A_36], %broadcast_in_dim3A_1 {strides = array<i32>} : memref<640x32xf32, #tpu.memory_space<vmem>>, vector<16xf32>,
      %swap3A_38 = arith.index_cast %scan3A_35 : i32 to index
      %swap3A_39 = arith.constant 16 : index
      %swap3A_40 = tpu.vector_load %arg9[%swap3A_38, %swap3A_39] {strides = array<i32>} : memref<640x32xf32, #tpu.memory_space<vmem>>, vector<16xf32>,
      tpu.vector_store %arg9[%swap3A_38, %swap3A_39], %broadcast_in_dim3A_1 {strides = array<i32>} : memref<640x32xf32, #tpu.memory_space<vmem>>, vector<16xf32>,
    }
    %scan3A_6 = arith.constant 640 : i32
    %mul3A_7 = arith.constant 640 : i32
    %mul3A_8 = arith.muli %arg1, %mul3A_7 : i32
    "tpu.region"() ({
      %run_scoped3A = tpu.sem_alloc : memref<!tpu.dma_semaphore, #tpu.memory_space<semaphore_mem>>
      %dma_start3A_35 = arith.constant 0 : i32
      %dma_start3A_36 = tpu.memref_slice %arg10[%mul3A_8, %dma_start3A_35] : memref<10240x32xf32, #tpu.memory_space<vmem_shared>> -> memref<640x32xf32, #tpu.memory_space<vmem_shared>>
      %dma_start3A_37 = arith.constant 0 : i32
      %dma_start3A_38 = tpu.memref_slice %arg10[%mul3A_8, %dma_start3A_37] : memref<10240x32xf32, #tpu.memory_space<vmem_shared>> -> memref<640x32xf32, #tpu.memory_space<vmem_shared>>
      tpu.enqueue_dma source(%arg9 : memref<640x32xf32, #tpu.memory_space<vmem>>) target(%dma_start3A_38 : memref<640x32xf32, #tpu.memory_space<vmem_shared>>) target_semaphore(%run_scoped3A : memref<!tpu.dma_semaphore, #tpu.memory_space<semaphore_mem>>)
      %dma_wait3A = arith.constant 0 : i32
      %dma_wait3A_39 = tpu.memref_slice %arg10[%mul3A_8, %dma_wait3A] : memref<10240x32xf32, #tpu.memory_space<vmem_shared>> -> memref<640x32xf32, #tpu.memory_space<vmem_shared>>
      %dma_wait3A_40 = arith.constant 0 : i32
      %dma_wait3A_41 = tpu.memref_slice %arg10[%mul3A_8, %dma_wait3A_40] : memref<10240x32xf32, #tpu.memory_space<vmem_shared>> -> memref<640x32xf32, #tpu.memory_space<vmem_shared>>
      tpu.wait_dma2 semaphore(%run_scoped3A : memref<!tpu.dma_semaphore, #tpu.memory_space<semaphore_mem>>) src(%arg9 : memref<640x32xf32, #tpu.memory_space<vmem>>) dst(%dma_wait3A_41 : memref<640x32xf32, #tpu.memory_space<vmem_shared>>)
      tpu.yield
    }) : () -> ()
    %mul3A_9 = arith.constant 625 : i32
    %mul3A_10 = arith.muli %arg1, %mul3A_9 : i32
    %mul3A_11 = arith.constant 625 : i32
    %mul3A_12 = arith.muli %arg1, %mul3A_11 : i32
    "tpu.region"() ({
      %run_scoped3A = tpu.sem_alloc : memref<!tpu.dma_semaphore, #tpu.memory_space<semaphore_mem>>
      %dma_start3A_35 = arith.constant 0 : i32
      %dma_start3A_36 = tpu.memref_slice %arg11[%mul3A_12, %dma_start3A_35] : memref<10000x32xf32, #tpu.memory_space<vmem_shared>> -> memref<625x32xf32, #tpu.memory_space<vmem_shared>>
      %dma_start3A_37 = arith.constant 0 : i32
      %dma_start3A_38 = tpu.memref_slice %arg2[%mul3A_10, %dma_start3A_37] : memref<10000x32xf32, #tpu.memory_space<hbm>> -> memref<625x32xf32, #tpu.memory_space<hbm>>
      tpu.enqueue_dma source(%dma_start3A_38 : memref<625x32xf32, #tpu.memory_space<hbm>>) target(%dma_start3A_36 : memref<625x32xf32, #tpu.memory_space<vmem_shared>>) target_semaphore(%run_scoped3A : memref<!tpu.dma_semaphore, #tpu.memory_space<semaphore_mem>>)
      %dma_wait3A = arith.constant 0 : i32
      %dma_wait3A_39 = tpu.memref_slice %arg11[%mul3A_12, %dma_wait3A] : memref<10000x32xf32, #tpu.memory_space<vmem_shared>> -> memref<625x32xf32, #tpu.memory_space<vmem_shared>>
      %dma_wait3A_40 = arith.constant 0 : i32
      %dma_wait3A_41 = tpu.memref_slice %arg2[%mul3A_10, %dma_wait3A_40] : memref<10000x32xf32, #tpu.memory_space<hbm>> -> memref<625x32xf32, #tpu.memory_space<hbm>>
      tpu.wait_dma2 semaphore(%run_scoped3A : memref<!tpu.dma_semaphore, #tpu.memory_space<semaphore_mem>>) src(%dma_wait3A_41 : memref<625x32xf32, #tpu.memory_space<hbm>>) dst(%dma_wait3A_39 : memref<625x32xf32, #tpu.memory_space<vmem_shared>>)
      tpu.yield
    }) : () -> ()
    %barrier3A = arith.constant 0 : index
    tpu.barrier barrier_id(%barrier3A)
    "tpu.region"() ({
      %run_scoped3A = tpu.sem_alloc : memref<!tpu.dma_semaphore, #tpu.memory_space<semaphore_mem>>
      %dma_start3A_35 = arith.constant 0 : i32
      %dma_start3A_36 = arith.constant 0 : i32
      %dma_start3A_37 = tpu.memref_slice %arg3[%add3A, %dma_start3A_35, %dma_start3A_36] : memref<32x80x128xi32, #tpu.memory_space<hbm>> -> memref<1x80x128xi32, #tpu.memory_space<hbm>>
      %dma_start3A_38 = tpu.memref_squeeze %dma_start3A_37 : memref<1x80x128xi32, #tpu.memory_space<hbm>> -> memref<80x128xi32, #tpu.memory_space<hbm>>
      %dma_start3A_39 = arith.constant 0 : i32
      %dma_start3A_40 = arith.constant 0 : i32
      %dma_start3A_41 = tpu.memref_slice %arg3[%add3A, %dma_start3A_39, %dma_start3A_40] : memref<32x80x128xi32, #tpu.memory_space<hbm>> -> memref<1x80x128xi32, #tpu.memory_space<hbm>>
      %dma_start3A_42 = tpu.memref_squeeze %dma_start3A_41 : memref<1x80x128xi32, #tpu.memory_space<hbm>> -> memref<80x128xi32, #tpu.memory_space<hbm>>
      tpu.enqueue_dma source(%dma_start3A_42 : memref<80x128xi32, #tpu.memory_space<hbm>>) target(%arg6 : memref<80x128xi32, #tpu.memory_space<vmem>>) target_semaphore(%run_scoped3A : memref<!tpu.dma_semaphore, #tpu.memory_space<semaphore_mem>>)
      %dma_wait3A = arith.constant 0 : i32
      %dma_wait3A_43 = arith.constant 0 : i32
      %dma_wait3A_44 = tpu.memref_slice %arg3[%add3A, %dma_wait3A, %dma_wait3A_43] : memref<32x80x128xi32, #tpu.memory_space<hbm>> -> memref<1x80x128xi32, #tpu.memory_space<hbm>>
      %dma_wait3A_45 = tpu.memref_squeeze %dma_wait3A_44 : memref<1x80x128xi32, #tpu.memory_space<hbm>> -> memref<80x128xi32, #tpu.memory_space<hbm>>
      %dma_wait3A_46 = arith.constant 0 : i32
      %dma_wait3A_47 = arith.constant 0 : i32
      %dma_wait3A_48 = tpu.memref_slice %arg3[%add3A, %dma_wait3A_46, %dma_wait3A_47] : memref<32x80x128xi32, #tpu.memory_space<hbm>> -> memref<1x80x128xi32, #tpu.memory_space<hbm>>
      %dma_wait3A_49 = tpu.memref_squeeze %dma_wait3A_48 : memref<1x80x128xi32, #tpu.memory_space<hbm>> -> memref<80x128xi32, #tpu.memory_space<hbm>>
      tpu.wait_dma2 semaphore(%run_scoped3A : memref<!tpu.dma_semaphore, #tpu.memory_space<semaphore_mem>>) src(%dma_wait3A_49 : memref<80x128xi32, #tpu.memory_space<hbm>>) dst(%arg6 : memref<80x128xi32, #tpu.memory_space<vmem>>)
      tpu.yield
    }) : () -> ()
    "tpu.region"() ({
      %run_scoped3A = tpu.sem_alloc : memref<!tpu.dma_semaphore, #tpu.memory_space<semaphore_mem>>
      %dma_start3A_35 = arith.constant 0 : i32
      %dma_start3A_36 = arith.constant 0 : i32
      %dma_start3A_37 = tpu.memref_slice %arg4[%add3A, %dma_start3A_35, %dma_start3A_36] : memref<32x80x128xi32, #tpu.memory_space<hbm>> -> memref<1x80x128xi32, #tpu.memory_space<hbm>>
      %dma_start3A_38 = tpu.memref_squeeze %dma_start3A_37 : memref<1x80x128xi32, #tpu.memory_space<hbm>> -> memref<80x128xi32, #tpu.memory_space<hbm>>
      %dma_start3A_39 = arith.constant 0 : i32
      %dma_start3A_40 = arith.constant 0 : i32
      %dma_start3A_41 = tpu.memref_slice %arg4[%add3A, %dma_start3A_39, %dma_start3A_40] : memref<32x80x128xi32, #tpu.memory_space<hbm>> -> memref<1x80x128xi32, #tpu.memory_space<hbm>>
      %dma_start3A_42 = tpu.memref_squeeze %dma_start3A_41 : memref<1x80x128xi32, #tpu.memory_space<hbm>> -> memref<80x128xi32, #tpu.memory_space<hbm>>
      tpu.enqueue_dma source(%dma_start3A_42 : memref<80x128xi32, #tpu.memory_space<hbm>>) target(%arg7 : memref<80x128xi32, #tpu.memory_space<vmem>>) target_semaphore(%run_scoped3A : memref<!tpu.dma_semaphore, #tpu.memory_space<semaphore_mem>>)
      %dma_wait3A = arith.constant 0 : i32
      %dma_wait3A_43 = arith.constant 0 : i32
      %dma_wait3A_44 = tpu.memref_slice %arg4[%add3A, %dma_wait3A, %dma_wait3A_43] : memref<32x80x128xi32, #tpu.memory_space<hbm>> -> memref<1x80x128xi32, #tpu.memory_space<hbm>>
      %dma_wait3A_45 = tpu.memref_squeeze %dma_wait3A_44 : memref<1x80x128xi32, #tpu.memory_space<hbm>> -> memref<80x128xi32, #tpu.memory_space<hbm>>
      %dma_wait3A_46 = arith.constant 0 : i32
      %dma_wait3A_47 = arith.constant 0 : i32
      %dma_wait3A_48 = tpu.memref_slice %arg4[%add3A, %dma_wait3A_46, %dma_wait3A_47] : memref<32x80x128xi32, #tpu.memory_space<hbm>> -> memref<1x80x128xi32, #tpu.memory_space<hbm>>
      %dma_wait3A_49 = tpu.memref_squeeze %dma_wait3A_48 : memref<1x80x128xi32, #tpu.memory_space<hbm>> -> memref<80x128xi32, #tpu.memory_space<hbm>>
      tpu.wait_dma2 semaphore(%run_scoped3A : memref<!tpu.dma_semaphore, #tpu.memory_space<semaphore_mem>>) src(%dma_wait3A_49 : memref<80x128xi32, #tpu.memory_space<hbm>>) dst(%arg7 : memref<80x128xi32, #tpu.memory_space<vmem>>)
      tpu.yield
    }) : () -> ()
    %dma_start3A = arith.constant 0 : i32
    %dma_start3A_13 = arith.constant 0 : i32
    %dma_start3A_14 = arith.constant 0 : i32
    %dma_start3A_15 = arith.constant 0 : i32
    %dma_start3A_16 = tpu.memref_slice %arg8[%dma_start3A_13, %dma_start3A_14, %dma_start3A_15] : memref<2x128x32xf32, #tpu.memory_space<vmem>> -> memref<1x128x32xf32, #tpu.memory_space<vmem>>
    %dma_start3A_17 = tpu.memref_squeeze %dma_start3A_16 : memref<1x128x32xf32, #tpu.memory_space<vmem>> -> memref<128x32xf32, #tpu.memory_space<vmem>>
    %dma_start3A_18 = arith.constant 0 : i32
    %dma_start3A_19 = tpu.memref_slice %arg6[%dma_start3A, %dma_start3A_18] : memref<80x128xi32, #tpu.memory_space<vmem>> -> memref<1x128xi32, #tpu.memory_space<vmem>>
    %dma_start3A_20 = tpu.memref_squeeze %dma_start3A_19 : memref<1x128xi32, #tpu.memory_space<vmem>> -> memref<128xi32, #tpu.memory_space<vmem>>
    %dma_start3A_21 = arith.constant 0 : i32
    %dma_start3A_22 = arith.constant 0 : i32
    %dma_start3A_23 = tpu.memref_slice %arg11[%dma_start3A_21, %dma_start3A_22] : memref<10000x32xf32, #tpu.memory_space<vmem_shared>> -> memref<10000x32xf32, #tpu.memory_space<vmem_shared>>
    tpu.enqueue_indirect_dma source(%dma_start3A_23 : memref<10000x32xf32, #tpu.memory_space<vmem_shared>>) target(%dma_start3A_17 : memref<128x32xf32, #tpu.memory_space<vmem>>) offsets(%dma_start3A_20 : memref<128xi32, #tpu.memory_space<vmem>>) semaphore(%arg12 : memref<!tpu.dma_semaphore, #tpu.memory_space<semaphore_mem>>)
    %scan3A_24 = arith.constant 0 : i32
    %scan3A_25 = arith.constant 0 : i32
    %scan3A_26 = arith.constant 40 : i32
    %scan3A_27 = arith.addi %scan3A_25, %scan3A_26 : i32
    %scan3A_28 = arith.constant 1 : i32
    scf.for %scan3A_35 = %scan3A_25 to %scan3A_27 step %scan3A_28  : i32 {
      %mul3A_36 = arith.constant 2 : i32
      %mul3A_37 = arith.muli %mul3A_36, %scan3A_35 : i32
      %dma_wait3A = arith.constant 0 : i32
      %dma_wait3A_38 = arith.constant 0 : i32
      %dma_wait3A_39 = arith.constant 0 : i32
      %dma_wait3A_40 = tpu.memref_slice %arg8[%dma_wait3A, %dma_wait3A_38, %dma_wait3A_39] : memref<2x128x32xf32, #tpu.memory_space<vmem>> -> memref<1x128x32xf32, #tpu.memory_space<vmem>>
      %dma_wait3A_41 = tpu.memref_squeeze %dma_wait3A_40 : memref<1x128x32xf32, #tpu.memory_space<vmem>> -> memref<128x32xf32, #tpu.memory_space<vmem>>
      %dma_wait3A_42 = arith.constant 0 : i32
      %dma_wait3A_43 = tpu.memref_slice %arg6[%mul3A_37, %dma_wait3A_42] : memref<80x128xi32, #tpu.memory_space<vmem>> -> memref<1x128xi32, #tpu.memory_space<vmem>>
      %dma_wait3A_44 = tpu.memref_squeeze %dma_wait3A_43 : memref<1x128xi32, #tpu.memory_space<vmem>> -> memref<128xi32, #tpu.memory_space<vmem>>
      %dma_wait3A_45 = arith.constant 0 : i32
      %dma_wait3A_46 = arith.constant 0 : i32
      %dma_wait3A_47 = tpu.memref_slice %arg11[%dma_wait3A_45, %dma_wait3A_46] : memref<10000x32xf32, #tpu.memory_space<vmem_shared>> -> memref<10000x32xf32, #tpu.memory_space<vmem_shared>>
      tpu.wait_indirect_dma semaphore(%arg12 : memref<!tpu.dma_semaphore, #tpu.memory_space<semaphore_mem>>) src(%dma_wait3A_47 : memref<10000x32xf32, #tpu.memory_space<vmem_shared>>) dst(%dma_wait3A_41 : memref<128x32xf32, #tpu.memory_space<vmem>>)
      %add3A_48 = arith.constant 1 : i32
      %add3A_49 = arith.addi %mul3A_37, %add3A_48 : i32
      %dma_start3A_50 = arith.constant 1 : i32
      %dma_start3A_51 = arith.constant 0 : i32
      %dma_start3A_52 = arith.constant 0 : i32
      %dma_start3A_53 = tpu.memref_slice %arg8[%dma_start3A_50, %dma_start3A_51, %dma_start3A_52] : memref<2x128x32xf32, #tpu.memory_space<vmem>> -> memref<1x128x32xf32, #tpu.memory_space<vmem>>
      %dma_start3A_54 = tpu.memref_squeeze %dma_start3A_53 : memref<1x128x32xf32, #tpu.memory_space<vmem>> -> memref<128x32xf32, #tpu.memory_space<vmem>>
      %dma_start3A_55 = arith.constant 0 : i32
      %dma_start3A_56 = tpu.memref_slice %arg6[%add3A_49, %dma_start3A_55] : memref<80x128xi32, #tpu.memory_space<vmem>> -> memref<1x128xi32, #tpu.memory_space<vmem>>
      %dma_start3A_57 = tpu.memref_squeeze %dma_start3A_56 : memref<1x128xi32, #tpu.memory_space<vmem>> -> memref<128xi32, #tpu.memory_space<vmem>>
      %dma_start3A_58 = arith.constant 0 : i32
      %dma_start3A_59 = arith.constant 0 : i32
      %dma_start3A_60 = tpu.memref_slice %arg11[%dma_start3A_58, %dma_start3A_59] : memref<10000x32xf32, #tpu.memory_space<vmem_shared>> -> memref<10000x32xf32, #tpu.memory_space<vmem_shared>>
      tpu.enqueue_indirect_dma source(%dma_start3A_60 : memref<10000x32xf32, #tpu.memory_space<vmem_shared>>) target(%dma_start3A_54 : memref<128x32xf32, #tpu.memory_space<vmem>>) offsets(%dma_start3A_57 : memref<128xi32, #tpu.memory_space<vmem>>) semaphore(%arg13 : memref<!tpu.dma_semaphore, #tpu.memory_space<semaphore_mem>>)
      %run_scoped3A = arith.constant 0 : i32
      "tpu.region"() ({
        %run_scoped3A_79 = tpu.sem_alloc : memref<!tpu.dma_semaphore, #tpu.memory_space<semaphore_mem>>
        %dma_start3A_80 = arith.constant 0 : i32
        %dma_start3A_81 = arith.constant 0 : i32
        %dma_start3A_82 = tpu.memref_slice %arg8[%run_scoped3A, %dma_start3A_80, %dma_start3A_81] : memref<2x128x32xf32, #tpu.memory_space<vmem>> -> memref<1x128x32xf32, #tpu.memory_space<vmem>>
        %dma_start3A_83 = tpu.memref_squeeze %dma_start3A_82 : memref<1x128x32xf32, #tpu.memory_space<vmem>> -> memref<128x32xf32, #tpu.memory_space<vmem>>
        %dma_start3A_84 = arith.constant 0 : i32
        %dma_start3A_85 = tpu.memref_slice %arg7[%mul3A_37, %dma_start3A_84] : memref<80x128xi32, #tpu.memory_space<vmem>> -> memref<1x128xi32, #tpu.memory_space<vmem>>
        %dma_start3A_86 = tpu.memref_squeeze %dma_start3A_85 : memref<1x128xi32, #tpu.memory_space<vmem>> -> memref<128xi32, #tpu.memory_space<vmem>>
        %dma_start3A_87 = arith.constant 0 : i32
        %dma_start3A_88 = arith.constant 0 : i32
        %dma_start3A_89 = tpu.memref_slice %arg10[%dma_start3A_87, %dma_start3A_88] : memref<10240x32xf32, #tpu.memory_space<vmem_shared>> -> memref<10240x32xf32, #tpu.memory_space<vmem_shared>>
        tpu.enqueue_indirect_dma source(%dma_start3A_83 : memref<128x32xf32, #tpu.memory_space<vmem>>) target(%dma_start3A_89 : memref<10240x32xf32, #tpu.memory_space<vmem_shared>>) offsets(%dma_start3A_86 : memref<128xi32, #tpu.memory_space<vmem>>) semaphore(%run_scoped3A_79 : memref<!tpu.dma_semaphore, #tpu.memory_space<semaphore_mem>>) {add = true}
        %dma_wait3A_90 = arith.constant 0 : i32
        %dma_wait3A_91 = arith.constant 0 : i32
        %dma_wait3A_92 = tpu.memref_slice %arg8[%run_scoped3A, %dma_wait3A_90, %dma_wait3A_91] : memref<2x128x32xf32, #tpu.memory_space<vmem>> -> memref<1x128x32xf32, #tpu.memory_space<vmem>>
        %dma_wait3A_93 = tpu.memref_squeeze %dma_wait3A_92 : memref<1x128x32xf32, #tpu.memory_space<vmem>> -> memref<128x32xf32, #tpu.memory_space<vmem>>
        %dma_wait3A_94 = arith.constant 0 : i32
        %dma_wait3A_95 = tpu.memref_slice %arg7[%mul3A_37, %dma_wait3A_94] : memref<80x128xi32, #tpu.memory_space<vmem>> -> memref<1x128xi32, #tpu.memory_space<vmem>>
        %dma_wait3A_96 = tpu.memref_squeeze %dma_wait3A_95 : memref<1x128xi32, #tpu.memory_space<vmem>> -> memref<128xi32, #tpu.memory_space<vmem>>
        %dma_wait3A_97 = arith.constant 0 : i32
        %dma_wait3A_98 = arith.constant 0 : i32
        %dma_wait3A_99 = tpu.memref_slice %arg10[%dma_wait3A_97, %dma_wait3A_98] : memref<10240x32xf32, #tpu.memory_space<vmem_shared>> -> memref<10240x32xf32, #tpu.memory_space<vmem_shared>>
        tpu.wait_indirect_dma semaphore(%run_scoped3A_79 : memref<!tpu.dma_semaphore, #tpu.memory_space<semaphore_mem>>) src(%dma_wait3A_93 : memref<128x32xf32, #tpu.memory_space<vmem>>) dst(%dma_wait3A_99 : memref<10240x32xf32, #tpu.memory_space<vmem_shared>>)
        tpu.yield
      }) : () -> ()
      %add3A_61 = arith.constant 1 : i32
      %add3A_62 = arith.addi %mul3A_37, %add3A_61 : i32
      %dma_wait3A_63 = arith.constant 1 : i32
      %dma_wait3A_64 = arith.constant 0 : i32
      %dma_wait3A_65 = arith.constant 0 : i32
      %dma_wait3A_66 = tpu.memref_slice %arg8[%dma_wait3A_63, %dma_wait3A_64, %dma_wait3A_65] : memref<2x128x32xf32, #tpu.memory_space<vmem>> -> memref<1x128x32xf32, #tpu.memory_space<vmem>>
      %dma_wait3A_67 = tpu.memref_squeeze %dma_wait3A_66 : memref<1x128x32xf32, #tpu.memory_space<vmem>> -> memref<128x32xf32, #tpu.memory_space<vmem>>
      %dma_wait3A_68 = arith.constant 0 : i32
      %dma_wait3A_69 = tpu.memref_slice %arg6[%add3A_62, %dma_wait3A_68] : memref<80x128xi32, #tpu.memory_space<vmem>> -> memref<1x128xi32, #tpu.memory_space<vmem>>
      %dma_wait3A_70 = tpu.memref_squeeze %dma_wait3A_69 : memref<1x128xi32, #tpu.memory_space<vmem>> -> memref<128xi32, #tpu.memory_space<vmem>>
      %dma_wait3A_71 = arith.constant 0 : i32
      %dma_wait3A_72 = arith.constant 0 : i32
      %dma_wait3A_73 = tpu.memref_slice %arg11[%dma_wait3A_71, %dma_wait3A_72] : memref<10000x32xf32, #tpu.memory_space<vmem_shared>> -> memref<10000x32xf32, #tpu.memory_space<vmem_shared>>
      tpu.wait_indirect_dma semaphore(%arg13 : memref<!tpu.dma_semaphore, #tpu.memory_space<semaphore_mem>>) src(%dma_wait3A_73 : memref<10000x32xf32, #tpu.memory_space<vmem_shared>>) dst(%dma_wait3A_67 : memref<128x32xf32, #tpu.memory_space<vmem>>)
      %lt3A = arith.constant 39 : i32
      %lt3A_74 = arith.cmpi slt, %scan3A_35, %lt3A : i32
      %convert_element_type3A = arith.extui %lt3A_74 : i1 to i32
      %cond3A = arith.constant 0 : i32
      %cond3A_75 = arith.cmpi ne, %convert_element_type3A, %cond3A : i32
      scf.if %cond3A_75 {
        %add3A_79 = arith.constant 2 : i32
        %add3A_80 = arith.addi %mul3A_37, %add3A_79 : i32
        %dma_start3A_81 = arith.constant 0 : i32
        %dma_start3A_82 = arith.constant 0 : i32
        %dma_start3A_83 = arith.constant 0 : i32
        %dma_start3A_84 = tpu.memref_slice %arg8[%dma_start3A_81, %dma_start3A_82, %dma_start3A_83] : memref<2x128x32xf32, #tpu.memory_space<vmem>> -> memref<1x128x32xf32, #tpu.memory_space<vmem>>
        %dma_start3A_85 = tpu.memref_squeeze %dma_start3A_84 : memref<1x128x32xf32, #tpu.memory_space<vmem>> -> memref<128x32xf32, #tpu.memory_space<vmem>>
        %dma_start3A_86 = arith.constant 0 : i32
        %dma_start3A_87 = tpu.memref_slice %arg6[%add3A_80, %dma_start3A_86] : memref<80x128xi32, #tpu.memory_space<vmem>> -> memref<1x128xi32, #tpu.memory_space<vmem>>
        %dma_start3A_88 = tpu.memref_squeeze %dma_start3A_87 : memref<1x128xi32, #tpu.memory_space<vmem>> -> memref<128xi32, #tpu.memory_space<vmem>>
        %dma_start3A_89 = arith.constant 0 : i32
        %dma_start3A_90 = arith.constant 0 : i32
        %dma_start3A_91 = tpu.memref_slice %arg11[%dma_start3A_89, %dma_start3A_90] : memref<10000x32xf32, #tpu.memory_space<vmem_shared>> -> memref<10000x32xf32, #tpu.memory_space<vmem_shared>>
        tpu.enqueue_indirect_dma source(%dma_start3A_91 : memref<10000x32xf32, #tpu.memory_space<vmem_shared>>) target(%dma_start3A_85 : memref<128x32xf32, #tpu.memory_space<vmem>>) offsets(%dma_start3A_88 : memref<128xi32, #tpu.memory_space<vmem>>) semaphore(%arg12 : memref<!tpu.dma_semaphore, #tpu.memory_space<semaphore_mem>>)
      } else {
      }
      %add3A_76 = arith.constant 1 : i32
      %add3A_77 = arith.addi %mul3A_37, %add3A_76 : i32
      %run_scoped3A_78 = arith.constant 1 : i32
      "tpu.region"() ({
        %run_scoped3A_79 = tpu.sem_alloc : memref<!tpu.dma_semaphore, #tpu.memory_space<semaphore_mem>>
        %dma_start3A_80 = arith.constant 0 : i32
        %dma_start3A_81 = arith.constant 0 : i32
        %dma_start3A_82 = tpu.memref_slice %arg8[%run_scoped3A_78, %dma_start3A_80, %dma_start3A_81] : memref<2x128x32xf32, #tpu.memory_space<vmem>> -> memref<1x128x32xf32, #tpu.memory_space<vmem>>
        %dma_start3A_83 = tpu.memref_squeeze %dma_start3A_82 : memref<1x128x32xf32, #tpu.memory_space<vmem>> -> memref<128x32xf32, #tpu.memory_space<vmem>>
        %dma_start3A_84 = arith.constant 0 : i32
        %dma_start3A_85 = tpu.memref_slice %arg7[%add3A_77, %dma_start3A_84] : memref<80x128xi32, #tpu.memory_space<vmem>> -> memref<1x128xi32, #tpu.memory_space<vmem>>
        %dma_start3A_86 = tpu.memref_squeeze %dma_start3A_85 : memref<1x128xi32, #tpu.memory_space<vmem>> -> memref<128xi32, #tpu.memory_space<vmem>>
        %dma_start3A_87 = arith.constant 0 : i32
        %dma_start3A_88 = arith.constant 0 : i32
        %dma_start3A_89 = tpu.memref_slice %arg10[%dma_start3A_87, %dma_start3A_88] : memref<10240x32xf32, #tpu.memory_space<vmem_shared>> -> memref<10240x32xf32, #tpu.memory_space<vmem_shared>>
        tpu.enqueue_indirect_dma source(%dma_start3A_83 : memref<128x32xf32, #tpu.memory_space<vmem>>) target(%dma_start3A_89 : memref<10240x32xf32, #tpu.memory_space<vmem_shared>>) offsets(%dma_start3A_86 : memref<128xi32, #tpu.memory_space<vmem>>) semaphore(%run_scoped3A_79 : memref<!tpu.dma_semaphore, #tpu.memory_space<semaphore_mem>>) {add = true}
        %dma_wait3A_90 = arith.constant 0 : i32
        %dma_wait3A_91 = arith.constant 0 : i32
        %dma_wait3A_92 = tpu.memref_slice %arg8[%run_scoped3A_78, %dma_wait3A_90, %dma_wait3A_91] : memref<2x128x32xf32, #tpu.memory_space<vmem>> -> memref<1x128x32xf32, #tpu.memory_space<vmem>>
        %dma_wait3A_93 = tpu.memref_squeeze %dma_wait3A_92 : memref<1x128x32xf32, #tpu.memory_space<vmem>> -> memref<128x32xf32, #tpu.memory_space<vmem>>
        %dma_wait3A_94 = arith.constant 0 : i32
        %dma_wait3A_95 = tpu.memref_slice %arg7[%add3A_77, %dma_wait3A_94] : memref<80x128xi32, #tpu.memory_space<vmem>> -> memref<1x128xi32, #tpu.memory_space<vmem>>
        %dma_wait3A_96 = tpu.memref_squeeze %dma_wait3A_95 : memref<1x128xi32, #tpu.memory_space<vmem>> -> memref<128xi32, #tpu.memory_space<vmem>>
        %dma_wait3A_97 = arith.constant 0 : i32
        %dma_wait3A_98 = arith.constant 0 : i32
        %dma_wait3A_99 = tpu.memref_slice %arg10[%dma_wait3A_97, %dma_wait3A_98] : memref<10240x32xf32, #tpu.memory_space<vmem_shared>> -> memref<10240x32xf32, #tpu.memory_space<vmem_shared>>
        tpu.wait_indirect_dma semaphore(%run_scoped3A_79 : memref<!tpu.dma_semaphore, #tpu.memory_space<semaphore_mem>>) src(%dma_wait3A_93 : memref<128x32xf32, #tpu.memory_space<vmem>>) dst(%dma_wait3A_99 : memref<10240x32xf32, #tpu.memory_space<vmem_shared>>)
        tpu.yield
      }) : () -> ()
    }
    %scan3A_29 = arith.constant 40 : i32
    %barrier3A_30 = arith.constant 0 : index
    tpu.barrier barrier_id(%barrier3A_30)
    %mul3A_31 = arith.constant 640 : i32
    %mul3A_32 = arith.muli %arg1, %mul3A_31 : i32
    %mul3A_33 = arith.constant 640 : i32
    %mul3A_34 = arith.muli %arg1, %mul3A_33 : i32
    "tpu.region"() ({
      %run_scoped3A = tpu.sem_alloc : memref<!tpu.dma_semaphore, #tpu.memory_space<semaphore_mem>>
      %dma_start3A_35 = arith.constant 0 : i32
      %dma_start3A_36 = tpu.memref_slice %arg5[%arg0, %mul3A_34, %dma_start3A_35] : memref<2x10240x32xf32, #tpu.memory_space<hbm>> -> memref<1x640x32xf32, #tpu.memory_space<hbm>>
      %dma_start3A_37 = tpu.memref_squeeze %dma_start3A_36 : memref<1x640x32xf32, #tpu.memory_space<hbm>> -> memref<640x32xf32, #tpu.memory_space<hbm>>
      %dma_start3A_38 = arith.constant 0 : i32
      %dma_start3A_39 = tpu.memref_slice %arg10[%mul3A_32, %dma_start3A_38] : memref<10240x32xf32, #tpu.memory_space<vmem_shared>> -> memref<640x32xf32, #tpu.memory_space<vmem_shared>>
      tpu.enqueue_dma source(%dma_start3A_39 : memref<640x32xf32, #tpu.memory_space<vmem_shared>>) target(%dma_start3A_37 : memref<640x32xf32, #tpu.memory_space<hbm>>) target_semaphore(%run_scoped3A : memref<!tpu.dma_semaphore, #tpu.memory_space<semaphore_mem>>)
      %dma_wait3A = arith.constant 0 : i32
      %dma_wait3A_40 = tpu.memref_slice %arg5[%arg0, %mul3A_34, %dma_wait3A] : memref<2x10240x32xf32, #tpu.memory_space<hbm>> -> memref<1x640x32xf32, #tpu.memory_space<hbm>>
      %dma_wait3A_41 = tpu.memref_squeeze %dma_wait3A_40 : memref<1x640x32xf32, #tpu.memory_space<hbm>> -> memref<640x32xf32, #tpu.memory_space<hbm>>
      %dma_wait3A_42 = arith.constant 0 : i32
      %dma_wait3A_43 = tpu.memref_slice %arg10[%mul3A_32, %dma_wait3A_42] : memref<10240x32xf32, #tpu.memory_space<vmem_shared>> -> memref<640x32xf32, #tpu.memory_space<vmem_shared>>
      tpu.wait_dma2 semaphore(%run_scoped3A : memref<!tpu.dma_semaphore, #tpu.memory_space<semaphore_mem>>) src(%dma_wait3A_43 : memref<640x32xf32, #tpu.memory_space<vmem_shared>>) dst(%dma_wait3A_41 : memref<640x32xf32, #tpu.memory_space<hbm>>)
      tpu.yield
    }) : () -> ()
    return
  }
}

module attributes {stable_mosaic.version = 14 : i64} {
  func.func @_tc1_body(%arg0: memref<10000x128xf32, #tpu.memory_space<vmem>>, %arg1: memref<128x32xf32, #tpu.memory_space<vmem>>, %arg2: memref<32x10240xf32, #tpu.memory_space<vmem>>, %arg3: memref<10000x32xf32, #tpu.memory_space<vmem>>, %arg4: memref<10000x32xf32, #tpu.memory_space<vmem>>, %arg5: memref<10000x1xf32, #tpu.memory_space<vmem>>) attributes {dimension_semantics = [], scalar_prefetch = 0 : i64, scratch_operands = 0 : i64, tpu.core_type = #tpu.core_type<tc>} {
    %get3A = arith.constant 0 : index
    %get3A_0 = arith.constant 0 : index
    %get3A_1 = vector.load %arg2[%get3A, %get3A_0] : memref<32x10240xf32, #tpu.memory_space<vmem>>, vector<32x10240xf32>
    %broadcast_in_dim3A = arith.constant 1.000000e+00 : f32
    %broadcast_in_dim3A_2 = vector.broadcast %broadcast_in_dim3A : f32 to vector<32x1xf32>
    %dot_general3A = arith.constant dense<0.000000e+00> : vector<10240x1xf32>
    %dot_general3A_3 = tpu.matmul %get3A_1, %broadcast_in_dim3A_2, %dot_general3A {dimension_numbers = #tpu.dot_dimension_numbers<[0], [0], [1], [1], [0, 1, 1, 1], [], []>, transpose_lhs_hint = false} : vector<32x10240xf32>, vector<32x1xf32>, vector<10240x1xf32> -> vector<10240x1xf32>
    %slice3A = vector.extract_strided_slice %dot_general3A_3 {offsets = [0, 0], sizes = [10000, 1], strides = [1, 1]} : vector<10240x1xf32> to vector<10000x1xf32>
    %add3A = arith.constant 1.000000e+00 : f32
    %add3A_4 = vector.broadcast %add3A : f32 to vector<10000x1xf32>
    %add3A_5 = arith.addf %slice3A, %add3A_4 : vector<10000x1xf32>
    %rsqrt3A = math.rsqrt %add3A_5 : vector<10000x1xf32>
    %get3A_6 = arith.constant 0 : index
    %get3A_7 = arith.constant 0 : index
    %get3A_8 = vector.load %arg0[%get3A_6, %get3A_7] : memref<10000x128xf32, #tpu.memory_space<vmem>>, vector<10000x128xf32>
    %get3A_9 = arith.constant 0 : index
    %get3A_10 = arith.constant 0 : index
    %get3A_11 = vector.load %arg1[%get3A_9, %get3A_10] : memref<128x32xf32, #tpu.memory_space<vmem>>, vector<128x32xf32>
    %dot_general3A_12 = arith.constant dense<0.000000e+00> : vector<10000x32xf32>
    %dot_general3A_13 = tpu.matmul %get3A_8, %get3A_11, %dot_general3A_12 {dimension_numbers = #tpu.dot_dimension_numbers<[1], [0], [0], [1], [0, 0, 1, 1], [], []>, transpose_lhs_hint = false} : vector<10000x128xf32>, vector<128x32xf32>, vector<10000x32xf32> -> vector<10000x32xf32>
    %swap3A = arith.constant 0 : index
    %swap3A_14 = arith.constant 0 : index
    %swap3A_15 = vector.load %arg3[%swap3A, %swap3A_14] : memref<10000x32xf32, #tpu.memory_space<vmem>>, vector<10000x32xf32>
    tpu.vector_store %arg3[%swap3A, %swap3A_14], %dot_general3A_13 {strides = array<i32>} : memref<10000x32xf32, #tpu.memory_space<vmem>>, vector<10000x32xf32>,
    %mul3A = vector.broadcast %rsqrt3A : vector<10000x1xf32> to vector<10000x32xf32>
    %mul3A_16 = arith.mulf %dot_general3A_13, %mul3A : vector<10000x32xf32>
    %swap3A_17 = arith.constant 0 : index
    %swap3A_18 = arith.constant 0 : index
    %swap3A_19 = vector.load %arg4[%swap3A_17, %swap3A_18] : memref<10000x32xf32, #tpu.memory_space<vmem>>, vector<10000x32xf32>
    tpu.vector_store %arg4[%swap3A_17, %swap3A_18], %mul3A_16 {strides = array<i32>} : memref<10000x32xf32, #tpu.memory_space<vmem>>, vector<10000x32xf32>,
    %swap3A_20 = arith.constant 0 : index
    %swap3A_21 = arith.constant 0 : index
    %swap3A_22 = vector.load %arg5[%swap3A_20, %swap3A_21] : memref<10000x1xf32, #tpu.memory_space<vmem>>, vector<10000x1xf32>
    tpu.vector_store %arg5[%swap3A_20, %swap3A_21], %rsqrt3A {strides = array<i32>} : memref<10000x1xf32, #tpu.memory_space<vmem>>, vector<10000x1xf32>,
    return
  }
}

module attributes {stable_mosaic.version = 14 : i64} {
  func.func @_tc_mid_body(%arg0: memref<2x10240x32xf32, #tpu.memory_space<vmem>>, %arg1: memref<10000x32xf32, #tpu.memory_space<vmem>>, %arg2: memref<10000x1xf32, #tpu.memory_space<vmem>>, %arg3: memref<1x32xf32, #tpu.memory_space<vmem>>, %arg4: memref<32x32xf32, #tpu.memory_space<vmem>>, %arg5: memref<10000x32xf32, #tpu.memory_space<vmem>>, %arg6: memref<10000x32xf32, #tpu.memory_space<vmem>>) attributes {dimension_semantics = [], scalar_prefetch = 0 : i64, scratch_operands = 0 : i64, tpu.core_type = #tpu.core_type<tc>} {
    %get3A = arith.constant 0 : index
    %get3A_0 = arith.constant 0 : index
    %get3A_1 = vector.load %arg2[%get3A, %get3A_0] : memref<10000x1xf32, #tpu.memory_space<vmem>>, vector<10000x1xf32>
    %get3A_2 = arith.constant 0 : index
    %get3A_3 = arith.constant 0 : index
    %get3A_4 = arith.constant 0 : index
    %get3A_5 = vector.load %arg0[%get3A_2, %get3A_3, %get3A_4] : memref<2x10240x32xf32, #tpu.memory_space<vmem>>, vector<1x10000x32xf32>
    %get3A_6 = vector.shape_cast %get3A_5 : vector<1x10000x32xf32> to vector<10000x32xf32>
    %get3A_7 = arith.constant 1 : index
    %get3A_8 = arith.constant 0 : index
    %get3A_9 = arith.constant 0 : index
    %get3A_10 = vector.load %arg0[%get3A_7, %get3A_8, %get3A_9] : memref<2x10240x32xf32, #tpu.memory_space<vmem>>, vector<1x10000x32xf32>
    %get3A_11 = vector.shape_cast %get3A_10 : vector<1x10000x32xf32> to vector<10000x32xf32>
    %add3A = arith.addf %get3A_6, %get3A_11 : vector<10000x32xf32>
    %mul3A = vector.broadcast %get3A_1 : vector<10000x1xf32> to vector<10000x32xf32>
    %mul3A_12 = arith.mulf %mul3A, %add3A : vector<10000x32xf32>
    %mul3A_13 = arith.mulf %get3A_1, %get3A_1 : vector<10000x1xf32>
    %get3A_14 = arith.constant 0 : index
    %get3A_15 = arith.constant 0 : index
    %get3A_16 = vector.load %arg1[%get3A_14, %get3A_15] : memref<10000x32xf32, #tpu.memory_space<vmem>>, vector<10000x32xf32>
    %mul3A_17 = vector.broadcast %mul3A_13 : vector<10000x1xf32> to vector<10000x32xf32>
    %mul3A_18 = arith.mulf %mul3A_17, %get3A_16 : vector<10000x32xf32>
    %add3A_19 = arith.addf %mul3A_12, %mul3A_18 : vector<10000x32xf32>
    %get3A_20 = arith.constant 0 : index
    %get3A_21 = arith.constant 0 : index
    %get3A_22 = vector.load %arg3[%get3A_20, %get3A_21] : memref<1x32xf32, #tpu.memory_space<vmem>>, vector<1x32xf32>
    %add3A_23 = vector.broadcast %get3A_22 : vector<1x32xf32> to vector<10000x32xf32>
    %add3A_24 = arith.addf %add3A_19, %add3A_23 : vector<10000x32xf32>
    %max3A = arith.constant 0.000000e+00 : f32
    %max3A_25 = vector.broadcast %max3A : f32 to vector<10000x32xf32>
    %max3A_26 = arith.maximumf %add3A_24, %max3A_25 : vector<10000x32xf32>
    %get3A_27 = arith.constant 0 : index
    %get3A_28 = arith.constant 0 : index
    %get3A_29 = vector.load %arg4[%get3A_27, %get3A_28] : memref<32x32xf32, #tpu.memory_space<vmem>>, vector<32x32xf32>
    %dot_general3A = arith.constant dense<0.000000e+00> : vector<10000x32xf32>
    %dot_general3A_30 = tpu.matmul %max3A_26, %get3A_29, %dot_general3A {dimension_numbers = #tpu.dot_dimension_numbers<[1], [0], [0], [1], [0, 0, 1, 1], [], []>, transpose_lhs_hint = false} : vector<10000x32xf32>, vector<32x32xf32>, vector<10000x32xf32> -> vector<10000x32xf32>
    %swap3A = arith.constant 0 : index
    %swap3A_31 = arith.constant 0 : index
    %swap3A_32 = vector.load %arg5[%swap3A, %swap3A_31] : memref<10000x32xf32, #tpu.memory_space<vmem>>, vector<10000x32xf32>
    tpu.vector_store %arg5[%swap3A, %swap3A_31], %dot_general3A_30 {strides = array<i32>} : memref<10000x32xf32, #tpu.memory_space<vmem>>, vector<10000x32xf32>,
    %mul3A_33 = vector.broadcast %get3A_1 : vector<10000x1xf32> to vector<10000x32xf32>
    %mul3A_34 = arith.mulf %dot_general3A_30, %mul3A_33 : vector<10000x32xf32>
    %swap3A_35 = arith.constant 0 : index
    %swap3A_36 = arith.constant 0 : index
    %swap3A_37 = vector.load %arg6[%swap3A_35, %swap3A_36] : memref<10000x32xf32, #tpu.memory_space<vmem>>, vector<10000x32xf32>
    tpu.vector_store %arg6[%swap3A_35, %swap3A_36], %mul3A_34 {strides = array<i32>} : memref<10000x32xf32, #tpu.memory_space<vmem>>, vector<10000x32xf32>,
    return
  }
}

module attributes {stable_mosaic.version = 14 : i64} {
  func.func @_tc_final_body(%arg0: memref<2x10240x32xf32, #tpu.memory_space<vmem>>, %arg1: memref<10000x32xf32, #tpu.memory_space<vmem>>, %arg2: memref<10000x1xf32, #tpu.memory_space<vmem>>, %arg3: memref<1x32xf32, #tpu.memory_space<vmem>>, %arg4: memref<1x10000xi32, #tpu.memory_space<vmem>>, %arg5: memref<32x16xf32, #tpu.memory_space<vmem>>, %arg6: memref<1x16xf32, #tpu.memory_space<vmem>>, %arg7: memref<64x16xf32, #tpu.memory_space<vmem>>) attributes {dimension_semantics = [], scalar_prefetch = 0 : i64, scratch_operands = 0 : i64, tpu.core_type = #tpu.core_type<tc>} {
    %get3A = arith.constant 0 : index
    %get3A_0 = arith.constant 0 : index
    %get3A_1 = vector.load %arg2[%get3A, %get3A_0] : memref<10000x1xf32, #tpu.memory_space<vmem>>, vector<10000x1xf32>
    %get3A_2 = arith.constant 0 : index
    %get3A_3 = arith.constant 0 : index
    %get3A_4 = arith.constant 0 : index
    %get3A_5 = vector.load %arg0[%get3A_2, %get3A_3, %get3A_4] : memref<2x10240x32xf32, #tpu.memory_space<vmem>>, vector<1x10000x32xf32>
    %get3A_6 = vector.shape_cast %get3A_5 : vector<1x10000x32xf32> to vector<10000x32xf32>
    %get3A_7 = arith.constant 1 : index
    %get3A_8 = arith.constant 0 : index
    %get3A_9 = arith.constant 0 : index
    %get3A_10 = vector.load %arg0[%get3A_7, %get3A_8, %get3A_9] : memref<2x10240x32xf32, #tpu.memory_space<vmem>>, vector<1x10000x32xf32>
    %get3A_11 = vector.shape_cast %get3A_10 : vector<1x10000x32xf32> to vector<10000x32xf32>
    %add3A = arith.addf %get3A_6, %get3A_11 : vector<10000x32xf32>
    %mul3A = vector.broadcast %get3A_1 : vector<10000x1xf32> to vector<10000x32xf32>
    %mul3A_12 = arith.mulf %mul3A, %add3A : vector<10000x32xf32>
    %mul3A_13 = arith.mulf %get3A_1, %get3A_1 : vector<10000x1xf32>
    %get3A_14 = arith.constant 0 : index
    %get3A_15 = arith.constant 0 : index
    %get3A_16 = vector.load %arg1[%get3A_14, %get3A_15] : memref<10000x32xf32, #tpu.memory_space<vmem>>, vector<10000x32xf32>
    %mul3A_17 = vector.broadcast %mul3A_13 : vector<10000x1xf32> to vector<10000x32xf32>
    %mul3A_18 = arith.mulf %mul3A_17, %get3A_16 : vector<10000x32xf32>
    %add3A_19 = arith.addf %mul3A_12, %mul3A_18 : vector<10000x32xf32>
    %get3A_20 = arith.constant 0 : index
    %get3A_21 = arith.constant 0 : index
    %get3A_22 = vector.load %arg3[%get3A_20, %get3A_21] : memref<1x32xf32, #tpu.memory_space<vmem>>, vector<1x32xf32>
    %add3A_23 = vector.broadcast %get3A_22 : vector<1x32xf32> to vector<10000x32xf32>
    %add3A_24 = arith.addf %add3A_19, %add3A_23 : vector<10000x32xf32>
    %iota3A = tpu.iota {dimensions = array<i32: 0>} : vector<64x10000xi32>
    %get3A_25 = arith.constant 0 : index
    %get3A_26 = arith.constant 0 : index
    %get3A_27 = vector.load %arg4[%get3A_25, %get3A_26] : memref<1x10000xi32, #tpu.memory_space<vmem>>, vector<1x10000xi32>
    %eq3A = vector.broadcast %get3A_27 : vector<1x10000xi32> to vector<64x10000xi32>
    %eq3A_28 = arith.cmpi eq, %iota3A, %eq3A : vector<64x10000xi32>
    %convert_element_type3A = arith.extui %eq3A_28 : vector<64x10000xi1> to vector<64x10000xi32>
    %convert_element_type3A_29 = arith.sitofp %convert_element_type3A : vector<64x10000xi32> to vector<64x10000xf32>
    %dot_general3A = arith.constant dense<0.000000e+00> : vector<64x32xf32>
    %dot_general3A_30 = tpu.matmul %convert_element_type3A_29, %add3A_24, %dot_general3A {dimension_numbers = #tpu.dot_dimension_numbers<[1], [0], [0], [1], [0, 0, 1, 1], [], []>, transpose_lhs_hint = false} : vector<64x10000xf32>, vector<10000x32xf32>, vector<64x32xf32> -> vector<64x32xf32>
    %reduce_sum3A = arith.constant dense<0.000000e+00> : vector<64xf32>
    %reduce_sum3A_31 = vector.multi_reduction <add>, %convert_element_type3A_29, %reduce_sum3A [1] : vector<64x10000xf32> to vector<64xf32>
    %broadcast_in_dim3A = vector.shape_cast %reduce_sum3A_31 : vector<64xf32> to vector<64x1xf32>
    %max3A = arith.constant 1.000000e+00 : f32
    %max3A_32 = vector.broadcast %max3A : f32 to vector<64x1xf32>
    %max3A_33 = arith.maximumf %broadcast_in_dim3A, %max3A_32 : vector<64x1xf32>
    %div3A = vector.broadcast %max3A_33 : vector<64x1xf32> to vector<64x32xf32>
    %div3A_34 = arith.divf %dot_general3A_30, %div3A : vector<64x32xf32>
    %get3A_35 = arith.constant 0 : index
    %get3A_36 = arith.constant 0 : index
    %get3A_37 = vector.load %arg5[%get3A_35, %get3A_36] : memref<32x16xf32, #tpu.memory_space<vmem>>, vector<32x16xf32>
    %dot_general3A_38 = arith.constant dense<0.000000e+00> : vector<64x16xf32>
    %dot_general3A_39 = tpu.matmul %div3A_34, %get3A_37, %dot_general3A_38 {dimension_numbers = #tpu.dot_dimension_numbers<[1], [0], [0], [1], [0, 0, 1, 1], [], []>, transpose_lhs_hint = false} : vector<64x32xf32>, vector<32x16xf32>, vector<64x16xf32> -> vector<64x16xf32>
    %get3A_40 = arith.constant 0 : index
    %get3A_41 = arith.constant 0 : index
    %get3A_42 = vector.load %arg6[%get3A_40, %get3A_41] : memref<1x16xf32, #tpu.memory_space<vmem>>, vector<1x16xf32>
    %add3A_43 = vector.broadcast %get3A_42 : vector<1x16xf32> to vector<64x16xf32>
    %add3A_44 = arith.addf %dot_general3A_39, %add3A_43 : vector<64x16xf32>
    %swap3A = arith.constant 0 : index
    %swap3A_45 = arith.constant 0 : index
    %swap3A_46 = vector.load %arg7[%swap3A, %swap3A_45] : memref<64x16xf32, #tpu.memory_space<vmem>>, vector<64x16xf32>
    tpu.vector_store %arg7[%swap3A, %swap3A_45], %add3A_44 {strides = array<i32>} : memref<64x16xf32, #tpu.memory_space<vmem>>, vector<64x16xf32>,
    return
  }
}

</mosaic_0001>

<sc_bundles>
// kernel: kernel.10.cloned.1.call-start
scs
__scs_entry_jumppad:
0x0: {  	(pc) =	sbr.rel $0x88, $3  }
0x1: {  	(tag) =	ssettag $0x0;
	lr =	simm.s32 $0x1  }
0x2: {  	[smem:$0x3F96] =	sst lr;
	_ =	strace $0xD0000000  }
0x3: {  	_ = 	snop  }
0x4: {  	_ = 	snop  }
0x5: {  	_ = 	snop  }
0x6: {  	_ = 	snop  }
0x7: {  	_ = 	snop  }
__scs_overlays_trampoline_lowered:
0x8: {  	[smem:$0x3FA5] =	sst s0  }
0x9: {  	[smem:$0x3FA6] =	sst s1  }
0xa: {  	[smem:$0x3FA7] =	sst s2  }
0xb: {  	[smem:$0x3FA8] =	sst s3  }
0xc: {  	[smem:$0x3FA9] =	sst s4  }
0xd: {  	[smem:$0x3FAA] =	sst s5  }
0xe: {  	[smem:$0x3FAB] =	sst s6  }
0xf: {  	[smem:$0x3FAC] =	sst s7  }
0x10: {  	[smem:$0x3FAD] =	sst s8  }
0x11: {  	[smem:$0x3FAE] =	sst s9;
	s0 =	simm.s32 @!p0 $0x0  }
0x12: {  	s1 =	sld [smem:$0x3F94];
	s0 =	simm.s32 @p0 $0x1  }
0x13: {  	[smem:$0x3FAF] =	sst s0;
	s0 =	simm.s32 @!p1 $0x0  }
0x14: {  	s2 =	sld [smem:$0x3F93];
	s0 =	simm.s32 @p1 $0x1  }
0x15: {  	[smem:$0x3FB0] =	sst s0;
	s0 =	simm.s32 @!p2 $0x0  }
0x16: {  	s3 =	sld [smem:$0x3FDB];
	s0 =	simm.s32 @p2 $0x1  }
0x17: {  	s4 =	simm.s32 $0x1BF5;
	[smem:$0x3FB2] =	sst s0  }
0x18: {  	s0 =	sld [smem:$0x3F95];
	_ =	swait.ge [sflag:s4], $0x0  }
0x19: {  	s7 =	sld [smem:$0x3F96]  }
0x1a: {  	s8 =	sadd.s32 $0xFFFFE003, lr  }
0x1b: {  	s9 =	sadd.s32 $0xFFFFFEF7, lr;
	s5 =	simm.s32 $0xFFFFFFFF;
	p2 =	slt.u32 s8, $0xFFFFF086  }
0x1c: {  	p1 =	slt.u32 s9, $0xF7A;
	s5 =	simm.s32 @!p2 $0x0  }
0x1d: {  	s5 =	simm.s32 @p1 $0x1;
	p0 =	seq.s32 s7, s2  }
0x1e: {  	s7 =	smul.u32 @!p0 $0xF7A, s2;
	p2 =	seq.s32 @!p0 s5, $0x0  }
0x1f: {  	s9 =	smul.u32 $0xF7A, s1;
	s8 =	simm.s32 @!p0 $0x1BF5;
	p2 =	por !p2, p0  }
0x20: {  	[sflag:s8] =	ssyncset.s32 @!p0 $0xFFFFF086;
	s6 =	sadd.s32 @!p0 s3, s7;
	s7 =	simm.s32 @!p0 $0x108  }
0x21: {  	s3 =	sadd.s32 s3, s9;
	s6 =	sadd.s32 @!p0 $0x88, s6;
	s7 =	simm.s32 @p2 $0x1082  }
0x22: {  	[simem:s7], [sflag:s8] =	dma.local @!p0 [hbm:s6], $0xF7A  }
0x23: {  	s9 =	sor.u32 $0xD0000000, s2;
	s6 =	simm.s32 $0x108;
	_ =	swait.ge @!p0 [sflag:s8], $0x0  }
0x24: {  	s3 =	sadd.s32 $0x88, s3;
	s6 =	simm.s32 @!p1 $0x1082;
	[sflag:s4] =	ssyncset.s32 $0xFFFFF086  }
0x25: {  	[simem:s6], [sflag:s4] =	dma.local [hbm:s3], $0xF7A  }
0x26: {  	[smem:$0x3F96] =	sst s1;
	(tag) =	ssettag s2;
	_ =	strace s9  }
0x27: {  	s1 =	sld [smem:$0x3FA6]  }
0x28: {  	s2 =	sld [smem:$0x3FA7]  }
0x29: {  	s4 =	sld [smem:$0x3FA9]  }
0x2a: {  	p0 =	seq.s32 s5, $0x0;
	s5 =	sld [smem:$0x3FAA]  }
0x2b: {  	s6 =	sld [smem:$0x3FAB]  }
0x2c: {  	s7 =	sld [smem:$0x3FAC]  }
0x2d: {  	s3 =	simm.s32 $0x108;
	s8 =	sld [smem:$0x3FAD]  }
0x2e: {  	s3 =	simm.s32 @!p0 $0x1082;
	s9 =	sld [smem:$0x3FAE]  }
0x2f: {  	lr =	sadd.s32 s0, s3;
	s0 =	sld [smem:$0x3FA5]  }
0x30: {  	s3 =	sld [smem:$0x3FA8]  }
0x31: {  	[smem:$0x3FB1] =	sst s10  }
0x32: {  	s10 =	sld [smem:$0x3FAF];
	_ =	sdelay $0x3  }
0x33: {  	p0 =	seq.s32 s10, $0x1;
	s10 =	sld [smem:$0x3FB1];
	_ =	sdelay $0x3  }
0x34: {  	[smem:$0x3FB1] =	sst s10  }
0x35: {  	s10 =	sld [smem:$0x3FB0];
	_ =	sdelay $0x3  }
0x36: {  	p1 =	seq.s32 s10, $0x1;
	s10 =	sld [smem:$0x3FB1];
	_ =	sdelay $0x3  }
0x37: {  	[smem:$0x3FB1] =	sst s10  }
0x38: {  	s10 =	sld [smem:$0x3FB2]  }
0x39: {  	_ = 	snop;
	(pc) =	sbr.ind lr, $3  }
0x3a: {  	_ = 	snop  }
0x3b: {  	_ = 	snop  }
0x3c: {  	p2 =	seq.s32 s10, $0x1;
	s10 =	sld [smem:$0x3FB1]  }
0x3d: {  	_ =	shalt  }
0x3e: {  	_ =	shalt  }
0x3f: {  	_ =	shalt  }
0x40: {  	_ =	shalt  }
0x41: {  	_ =	shalt  }
0x42: {  	_ =	shalt  }
0x43: {  	_ =	shalt  }
0x44: {  	_ =	shalt  }
0x45: {  	_ =	shalt  }
0x46: {  	_ =	shalt  }
0x47: {  	_ =	shalt  }
0x48: {  	_ =	shalt  }
0x49: {  	_ =	shalt  }
0x4a: {  	_ =	shalt  }
0x4b: {  	_ =	shalt  }
0x4c: {  	_ =	shalt  }
0x4d: {  	_ =	shalt  }
0x4e: {  	_ =	shalt  }
0x4f: {  	_ =	shalt  }
0x50: {  	_ =	shalt  }
0x51: {  	_ =	shalt  }
0x52: {  	_ =	shalt  }
0x53: {  	_ =	shalt  }
0x54: {  	_ =	shalt  }
0x55: {  	_ =	shalt  }
0x56: {  	_ =	shalt  }
0x57: {  	_ =	shalt  }
0x58: {  	_ =	shalt  }
0x59: {  	_ =	shalt  }
0x5a: {  	_ =	shalt  }
0x5b: {  	_ =	shalt  }
0x5c: {  	_ =	shalt  }
0x5d: {  	_ =	shalt  }
0x5e: {  	_ =	shalt  }
0x5f: {  	_ =	shalt  }
0x60: {  	_ =	shalt  }
0x61: {  	_ =	shalt  }
0x62: {  	_ =	shalt  }
0x63: {  	_ =	shalt  }
0x64: {  	_ =	shalt  }
0x65: {  	_ =	shalt  }
0x66: {  	_ =	shalt  }
0x67: {  	_ =	shalt  }
0x68: {  	_ =	shalt  }
0x69: {  	_ =	shalt  }
0x6a: {  	_ =	shalt  }
0x6b: {  	_ =	shalt  }
0x6c: {  	_ =	shalt  }
0x6d: {  	_ =	shalt  }
0x6e: {  	_ =	shalt  }
0x6f: {  	_ =	shalt  }
0x70: {  	_ =	shalt  }
0x71: {  	_ =	shalt  }
0x72: {  	_ =	shalt  }
0x73: {  	_ =	shalt  }
0x74: {  	_ =	shalt  }
0x75: {  	_ =	shalt  }
0x76: {  	_ =	shalt  }
0x77: {  	_ =	shalt  }
0x78: {  	_ =	shalt  }
0x79: {  	_ =	shalt  }
0x7a: {  	_ =	shalt  }
0x7b: {  	_ =	shalt  }
0x7c: {  	_ =	shalt  }
0x7d: {  	_ =	shalt  }
0x7e: {  	_ =	shalt  }
0x7f: {  	_ =	shalt  }
0x80: {  	_ =	shalt  }
0x81: {  	_ =	shalt  }
0x82: {  	_ =	shalt  }
0x83: {  	_ =	shalt  }
0x84: {  	_ =	shalt  }
0x85: {  	_ =	shalt  }
0x86: {  	_ =	shalt  }
0x87: {  	_ =	shalt  }
.Lfunc_end0:
.L_simem_size_0:
called_computation_lowered:
.L_overlay_start_0:
0x88: {  	s2 =	sld [smem:$0x3FD9]  }
0x89: {  	s3 =	sld [smem:$0x3FFE];
	_ =	sdelay $0x1  }
0x8a: {  	s1 =	srdreg.scid  }
0x8b: {  	s0 =	sand.u32 $0x1, s1  }
0x8c: {  	s16 =	sshll.u32 s0, $0xA;
	s2 =	sadd.s32 s3, s2  }
0x8d: {  	s2 =	sadd.s32 s2, s16  }
0x8e: {  	[smem:$0x3FBD] =	sst s2  }
0x8f: {  	_ = 	snop  }
0x90: {  	(tm) =	ssettm $0x1  }
0x91: {  	s17 =	sld [smem:$0x3FFB];
	_ =	sdelay $0x3  }
0x92: {  	_ =	strace s17  }
0x93: {  	s2 =	sld [smem:$0x3FFC];
	_ =	sdelay $0x3  }
0x94: {  	_ =	strace s2  }
0x95: {  	s2 =	sld [smem:$0x3FFD];
	_ =	sdelay $0x3  }
0x96: {  	_ =	strace s2  }
0x97: {  	_ =	strace $0x8FFFFFFF  }
0x98: {  	s18 =	sld [smem:$0x3FDB];
	_ =	sdelay $0x1  }
0x99: {  	s19 =	simm.s32 $_scs_section_size  }
0x9a: {  	s4 =	simm.s32 $_size__tile_overlayer_lowered;
	s5 =	simm.s32 $_tile_overlayer_lowered  }
0x9b: {  	s22 =	simm.s32 $0x1BFF;
	s21 =	sshll.u32 s5, $0x1;
	s2 =	sadd.s32 s19, s18  }
0x9c: {  	s6 =	simm.s32 $0x0;
	s20 =	sshll.u32 s4, $0x1;
	s4 =	sadd.s32 s21, s2  }
0x9d: {  	[timem:s6], [sflag:s22] =	dma.local [hbm:s4], s20  }
0x9e: {  	_ =	swait.ge [sflag:s22], s20  }
0x9f: {  	s3 =	ssub.s32 $0x0, s20;
	[sflag:s22] =	ssyncset.done $0x0  }
0xa0: {  	[sflag:s22] =	ssyncadd.s32 s3;
	_ =	sdelay $0x1  }
0xa1: {  	s23 =	simm.s32 $0x1B8B  }
0xa2: {  	_ =	swait.ge [sflag:s23], $0x1  }
0xa3: {  	[sflag:s23] =	ssyncset.done $0x0  }
0xa4: {  	s25 =	simm.s32 $0x1B8E;
	s24 =	sld [smem:$0x3FFE];
	[sflag:s23] =	ssyncadd.s32 $0xFFFFFFFF  }
0xa5: {  	s26 =	simm.s32 $execute0_lowered;
	[smem:$0x3FD2] =	sst s25  }
0xa6: {  	s4 =	sshll.u32 s26, $0x1;
	_ =	strace $0x80000046;
	[dreg:$0x1] =	wrdreg $0xFFFFFFFF  }
0xa7: {  	s28 =	simm.s32 $_size_execute0_lowered;
	s2 =	sadd.s32 s2, s4;
	[dreg:$0x0] =	wrdreg $0x0  }
0xa8: {  	s4 =	sshll.u32 s28, $0x1;
	[dreg:$0x2] =	wrdreg s2  }
0xa9: {  	[dreg:$0x3] =	wrdreg s4  }
0xaa: {  	[dreg:$0x4] =	wrdreg $0xC0  }
0xab: {  	_ =	task [dreg:s6], $0x5FFFF  }
0xac: {  	[dreg:$0x1] =	wrdreg $0xFFFFFFFF  }
0xad: {  	[dreg:$0x0] =	wrdreg $0x60  }
0xae: {  	[dreg:$0x2] =	wrdreg s24  }
0xaf: {  	[dreg:$0x3] =	wrdreg $0x9  }
0xb0: {  	_ =	task.clear_ibuf [dreg:s6], $0x4FFFF;
	_ =	strace $0x90000046  }
0xb1: {  	s29 =	simm.s32 $0x9;
	_ =	strace $0x80000048  }
0xb2: {  	_ =	swait.ge [sflag:s29], $0x1  }
0xb3: {  	[sflag:s29] =	ssyncadd.s32 $0xFFFFFFFF  }
0xb4: {  	_ =	strace $0x90000048  }
0xb5: {  	_ =	sfence  }
0xb6: {  	s30 =	sld [smem:$0x0];
	_ =	sdelay $0x2  }
0xb7: {  	s31 =	sshll.u32 s1, $0xD;
	s1 =	sshrl.u32 s1, $0x2  }
0xb8: {  	s3 =	sand.u32 $0x4000, s31;
	s1 =	sadd.s32 s1, s30  }
0xb9: {  	s0 =	sor.u32 s3, s0;
	s1 =	sshll.u32 s1, $0x11  }
0xba: {  	s0 =	sor.u32 s1, s0  }
0xbb: {  	s0 =	sadd.s32 $0x8F2B, s0  }
0xbc: {  	[sflag:s0] =	ssyncadd.remote.s32 $0x1  }
0xbd: {  	_ =	sfence.sel $0xFFFF  }
0xbe: {  	[dreg:$0x0] =	wrdreg $0xFFFFFFFF;
	(pc) =	sbr.abs _section_cstart, $3  }
0xbf: {  	[dreg:$0x1] =	wrdreg $0xFFFFFFFF  }
0xc0: {  	_ =	task.clear_ibuf [dreg:s6], $0x2FFFF;
	_ =	strace $0x9FFFFFFF  }
0xc1: {  	(tm) =	ssettm $0x7FFFFFFF  }
tec
execute0_lowered:
.L_overlay_start_1:
0x0: {  	(tag) =	ssettag $0x1  }
0x1: {  	s0 =	srdreg.scid  }
0x2: {  	s3 =	sand.u32 $0x1, s0  }
0x3: {  	s0 =	stileid.u32;
	s1 =	sshll.u32 s3, $0x4  }
0x4: {  	s5 =	rddreg [dreg:$0x0];
	s2 =	simm.s32 $0x0;
	s1 =	sor.u32 s0, s1  }
0x5: {  	s7 =	simm.s32 $0x400;
	s8 =	simm.s32 $0x2800;
	s1 =	sshrl.u32 s1, $0x3  }
0x6: {  	s9 =	simm.s32 $0x1;
	s30 =	sshll.u32 s0, $0x7;
	s4 =	smul.u32 $0x14000, s1  }
0x7: {  	s10 =	simm.s32 $0x0;
	s3 =	ssub.s32 $0x2, s3;
	s6 =	sand.u32 $0x380, s30  }
0x8: {  	[smem:$0x7FF] =	sst s2;
	s31 =	sshrl.u32 s3, $0x1;
	s4 =	sor.u32 s6, s4  }
0x9: {  	s1 =	rddreg [dreg:$0x1];
	_ =	strace $0x80000047;
	s4 =	sshrl.u32 s4, $0x3  }
0xa: {  	s6 =	simm.s32 $0x80;
	s4 =	sadd.s32 s4, s5;
	s5 =	ssub.s32 s3, s31  }
0xb: {  	v0 =	vimm.f32 $0.0e+00;
	v1 =	vimm.f32 $1.000000000e+00;
	s3 =	sadd.s32 $0xCC00, s4;
	s4 =	sadd.s32 $0x16C00, s4;
	s5 =	smax.u32 s5, $0x1  }
.LBB2_1:
0xc: {  	s11 =	simm.s32 $0x40;
	s12 =	simm.s32 $0x0  }
.LBB2_2:
0xd: {  	p0 =	sne.s32 s11, $0x9FC0;
	[tilespmem:s12+$0x0] =	vst v0;
	s12 =	smov.u32 s11;
	s11 =	sadd.s32 $0x40, s11  }
.Ltmp0:
0xe: {  	(pc) =	sbr.rel @p0 .LBB2_2-.Ltmp0, $2  }
0xf: {  	_ =	sdelay $0x2  }
0x10: {  	s12 =	sshra.s32 s12, $0x2  }
0x11: {  	[tilespmem:s12+$0x0] =	vst v0  }
0x12: {  	[tilespmem:s8], [sflag:$0x1] =	stream.strided.gather [hbm4b:s3+s6], $0x2800, s7, s6, $0x38;
	[tilespmem:$0x5000] =	vst v63  }
0x13: {  	_ =	swait.ge [sflag:s9], $0x2800  }
0x14: {  	[sflag:s9] =	ssyncset.done $0x0  }
0x15: {  	s12 =	simm.s32 $0x0;
	s11 =	simm.s32 $0x40;
	[sflag:s9] =	ssyncadd.s32 $0xFFFFD800  }
.LBB2_4:
0x16: {  	p0 =	sne.s32 s11, $0x9FC0;
	v2 =	vld [tilespmem:s12+$0x2800];
	_ =	sdelay $0x3  }
.Ltmp1:
0x17: {  	(pc) =	sbr.rel @p0 .LBB2_4-.Ltmp1, $2  }
0x18: {  	_ =	sdelay $0x2  }
0x19: {  	s12 =	sshra.s32 s11, $0x2;
	s11 =	sadd.s32 $0x40, s11;
	[tilespmem:v2+s2+$0x0] =	vst.idx.add.f32.msk $0xffff, v1  }
0x1a: {  	v2 =	vld [tilespmem:s12+$0x2800];
	_ =	sdelay $0x5  }
0x1b: {  	s10 =	sadd.s32 $0x1, s10  }
0x1c: {  	p0 =	sne.s32 s10, s5  }
.Ltmp2:
0x1d: {  	[tilespmem:v2+s2+$0x0] =	vst.idx.add.f32.msk $0xffff, v1;
	(pc) =	sbr.rel @p0 .LBB2_1-.Ltmp2, $4  }
0x1e: {  	[hbm4b:s4+s6] =	stream.strided.scatter [tilespmem:s2], [sflag:$0x1], $0x2800, s7, s6, $0x38;
	[tilespmem:$0x5000] =	vst v63  }
0x1f: {  	_ =	swait.ge [sflag:s9], $0x2800  }
0x20: {  	[sflag:s9] =	ssyncset.done $0x0  }
0x21: {  	[sflag:s9] =	ssyncadd.s32 $0xFFFFD800  }
0x22: {  	_ =	sfence.sel $0x180000  }
0x23: {  	[bflag:$0x0] =	sbarrier.arrive $0xFFFF  }
0x24: {  	p0 =	sne.s32 s0, $0x0;
	_ =	strace $0x90000047  }
0x25: {  	s0 =	sadd.s32 @!p0 $0x100000, s1;
	[bflag:$0x2] =	sbarrier.arrive $0xFFFF  }
0x26: {  	[sflag:s0] =	ssyncadd.tile.s32 @!p0 $0x1;
	_ =	shalt  }
.Lfunc_end2:
_tile_overlayer_lowered:
.L_overlay_start_2:
0x27: {  	(tag) =	ssettag $0x2  }
0x28: {  	s0 =	rddreg [dreg:$0x0];
	s2 =	stileid.u32  }
0x29: {  	s1 =	rddreg [dreg:$0x1];
	p0 =	sne.s32 s2, $0x0  }
0x2a: {  	s3 =	rddreg [dreg:$0x2];
	[bflag:$0x3] =	sbarrier.arrive $0xFFFF;
	s2 =	simm.s32 @!p0 $0x1C01  }
0x2b: {  	[timem:s3], [sflag:s2] =	dma.local @!p0 [hbm:s0], s1  }
0x2c: {  	s0 =	simm.s32 @!p0 $0x1  }
0x2d: {  	_ =	swait.ge @!p0 [sflag:s0], s1  }
0x2e: {  	s1 =	ssub.s32 @!p0 $0x0, s1;
	[sflag:s0] =	ssyncset.done @!p0 $0x0  }
0x2f: {  	[sflag:s0] =	ssyncadd.s32 @!p0 s1  }
0x30: {  	[bflag:$0x3] =	sbarrier.arrive $0xFFFF  }
0x31: {  	_ =	shalt  }

// kernel: kernel.13.cloned.1.call-start
scs
__scs_entry_jumppad:
0x0: {  	(pc) =	sbr.rel $0x88, $3  }
0x1: {  	(tag) =	ssettag $0x0;
	lr =	simm.s32 $0x1  }
0x2: {  	[smem:$0x3F96] =	sst lr;
	_ =	strace $0xD0000000  }
0x3: {  	_ = 	snop  }
0x4: {  	_ = 	snop  }
0x5: {  	_ = 	snop  }
0x6: {  	_ = 	snop  }
0x7: {  	_ = 	snop  }
__scs_overlays_trampoline_lowered:
0x8: {  	[smem:$0x3FA5] =	sst s0  }
0x9: {  	[smem:$0x3FA6] =	sst s1  }
0xa: {  	[smem:$0x3FA7] =	sst s2  }
0xb: {  	[smem:$0x3FA8] =	sst s3  }
0xc: {  	[smem:$0x3FA9] =	sst s4  }
0xd: {  	[smem:$0x3FAA] =	sst s5  }
0xe: {  	[smem:$0x3FAB] =	sst s6  }
0xf: {  	[smem:$0x3FAC] =	sst s7  }
0x10: {  	[smem:$0x3FAD] =	sst s8  }
0x11: {  	[smem:$0x3FAE] =	sst s9;
	s0 =	simm.s32 @!p0 $0x0  }
0x12: {  	s1 =	sld [smem:$0x3F94];
	s0 =	simm.s32 @p0 $0x1  }
0x13: {  	[smem:$0x3FAF] =	sst s0;
	s0 =	simm.s32 @!p1 $0x0  }
0x14: {  	s2 =	sld [smem:$0x3F93];
	s0 =	simm.s32 @p1 $0x1  }
0x15: {  	[smem:$0x3FB0] =	sst s0;
	s0 =	simm.s32 @!p2 $0x0  }
0x16: {  	s3 =	sld [smem:$0x3FDB];
	s0 =	simm.s32 @p2 $0x1  }
0x17: {  	s4 =	simm.s32 $0x1BF5;
	[smem:$0x3FB2] =	sst s0  }
0x18: {  	s0 =	sld [smem:$0x3F95];
	_ =	swait.ge [sflag:s4], $0x0  }
0x19: {  	s7 =	sld [smem:$0x3F96]  }
0x1a: {  	s8 =	sadd.s32 $0xFFFFE003, lr  }
0x1b: {  	s9 =	sadd.s32 $0xFFFFFEF7, lr;
	s5 =	simm.s32 $0xFFFFFFFF;
	p2 =	slt.u32 s8, $0xFFFFF086  }
0x1c: {  	p1 =	slt.u32 s9, $0xF7A;
	s5 =	simm.s32 @!p2 $0x0  }
0x1d: {  	s5 =	simm.s32 @p1 $0x1;
	p0 =	seq.s32 s7, s2  }
0x1e: {  	s7 =	smul.u32 @!p0 $0xF7A, s2;
	p2 =	seq.s32 @!p0 s5, $0x0  }
0x1f: {  	s9 =	smul.u32 $0xF7A, s1;
	s8 =	simm.s32 @!p0 $0x1BF5;
	p2 =	por !p2, p0  }
0x20: {  	[sflag:s8] =	ssyncset.s32 @!p0 $0xFFFFF086;
	s6 =	sadd.s32 @!p0 s3, s7;
	s7 =	simm.s32 @!p0 $0x108  }
0x21: {  	s3 =	sadd.s32 s3, s9;
	s6 =	sadd.s32 @!p0 $0x88, s6;
	s7 =	simm.s32 @p2 $0x1082  }
0x22: {  	[simem:s7], [sflag:s8] =	dma.local @!p0 [hbm:s6], $0xF7A  }
0x23: {  	s9 =	sor.u32 $0xD0000000, s2;
	s6 =	simm.s32 $0x108;
	_ =	swait.ge @!p0 [sflag:s8], $0x0  }
0x24: {  	s3 =	sadd.s32 $0x88, s3;
	s6 =	simm.s32 @!p1 $0x1082;
	[sflag:s4] =	ssyncset.s32 $0xFFFFF086  }
0x25: {  	[simem:s6], [sflag:s4] =	dma.local [hbm:s3], $0xF7A  }
0x26: {  	[smem:$0x3F96] =	sst s1;
	(tag) =	ssettag s2;
	_ =	strace s9  }
0x27: {  	s1 =	sld [smem:$0x3FA6]  }
0x28: {  	s2 =	sld [smem:$0x3FA7]  }
0x29: {  	s4 =	sld [smem:$0x3FA9]  }
0x2a: {  	p0 =	seq.s32 s5, $0x0;
	s5 =	sld [smem:$0x3FAA]  }
0x2b: {  	s6 =	sld [smem:$0x3FAB]  }
0x2c: {  	s7 =	sld [smem:$0x3FAC]  }
0x2d: {  	s3 =	simm.s32 $0x108;
	s8 =	sld [smem:$0x3FAD]  }
0x2e: {  	s3 =	simm.s32 @!p0 $0x1082;
	s9 =	sld [smem:$0x3FAE]  }
0x2f: {  	lr =	sadd.s32 s0, s3;
	s0 =	sld [smem:$0x3FA5]  }
0x30: {  	s3 =	sld [smem:$0x3FA8]  }
0x31: {  	[smem:$0x3FB1] =	sst s10  }
0x32: {  	s10 =	sld [smem:$0x3FAF];
	_ =	sdelay $0x3  }
0x33: {  	p0 =	seq.s32 s10, $0x1;
	s10 =	sld [smem:$0x3FB1];
	_ =	sdelay $0x3  }
0x34: {  	[smem:$0x3FB1] =	sst s10  }
0x35: {  	s10 =	sld [smem:$0x3FB0];
	_ =	sdelay $0x3  }
0x36: {  	p1 =	seq.s32 s10, $0x1;
	s10 =	sld [smem:$0x3FB1];
	_ =	sdelay $0x3  }
0x37: {  	[smem:$0x3FB1] =	sst s10  }
0x38: {  	s10 =	sld [smem:$0x3FB2]  }
0x39: {  	_ = 	snop;
	(pc) =	sbr.ind lr, $3  }
0x3a: {  	_ = 	snop  }
0x3b: {  	_ = 	snop  }
0x3c: {  	p2 =	seq.s32 s10, $0x1;
	s10 =	sld [smem:$0x3FB1]  }
0x3d: {  	_ =	shalt  }
0x3e: {  	_ =	shalt  }
0x3f: {  	_ =	shalt  }
0x40: {  	_ =	shalt  }
0x41: {  	_ =	shalt  }
0x42: {  	_ =	shalt  }
0x43: {  	_ =	shalt  }
0x44: {  	_ =	shalt  }
0x45: {  	_ =	shalt  }
0x46: {  	_ =	shalt  }
0x47: {  	_ =	shalt  }
0x48: {  	_ =	shalt  }
0x49: {  	_ =	shalt  }
0x4a: {  	_ =	shalt  }
0x4b: {  	_ =	shalt  }
0x4c: {  	_ =	shalt  }
0x4d: {  	_ =	shalt  }
0x4e: {  	_ =	shalt  }
0x4f: {  	_ =	shalt  }
0x50: {  	_ =	shalt  }
0x51: {  	_ =	shalt  }
0x52: {  	_ =	shalt  }
0x53: {  	_ =	shalt  }
0x54: {  	_ =	shalt  }
0x55: {  	_ =	shalt  }
0x56: {  	_ =	shalt  }
0x57: {  	_ =	shalt  }
0x58: {  	_ =	shalt  }
0x59: {  	_ =	shalt  }
0x5a: {  	_ =	shalt  }
0x5b: {  	_ =	shalt  }
0x5c: {  	_ =	shalt  }
0x5d: {  	_ =	shalt  }
0x5e: {  	_ =	shalt  }
0x5f: {  	_ =	shalt  }
0x60: {  	_ =	shalt  }
0x61: {  	_ =	shalt  }
0x62: {  	_ =	shalt  }
0x63: {  	_ =	shalt  }
0x64: {  	_ =	shalt  }
0x65: {  	_ =	shalt  }
0x66: {  	_ =	shalt  }
0x67: {  	_ =	shalt  }
0x68: {  	_ =	shalt  }
0x69: {  	_ =	shalt  }
0x6a: {  	_ =	shalt  }
0x6b: {  	_ =	shalt  }
0x6c: {  	_ =	shalt  }
0x6d: {  	_ =	shalt  }
0x6e: {  	_ =	shalt  }
0x6f: {  	_ =	shalt  }
0x70: {  	_ =	shalt  }
0x71: {  	_ =	shalt  }
0x72: {  	_ =	shalt  }
0x73: {  	_ =	shalt  }
0x74: {  	_ =	shalt  }
0x75: {  	_ =	shalt  }
0x76: {  	_ =	shalt  }
0x77: {  	_ =	shalt  }
0x78: {  	_ =	shalt  }
0x79: {  	_ =	shalt  }
0x7a: {  	_ =	shalt  }
0x7b: {  	_ =	shalt  }
0x7c: {  	_ =	shalt  }
0x7d: {  	_ =	shalt  }
0x7e: {  	_ =	shalt  }
0x7f: {  	_ =	shalt  }
0x80: {  	_ =	shalt  }
0x81: {  	_ =	shalt  }
0x82: {  	_ =	shalt  }
0x83: {  	_ =	shalt  }
0x84: {  	_ =	shalt  }
0x85: {  	_ =	shalt  }
0x86: {  	_ =	shalt  }
0x87: {  	_ =	shalt  }
.Lfunc_end0:
.L_simem_size_0:
called_computation.1_lowered:
.L_overlay_start_0:
0x88: {  	s2 =	sld [smem:$0x3FD9]  }
0x89: {  	s3 =	sld [smem:$0x3FFE];
	_ =	sdelay $0x1  }
0x8a: {  	s1 =	srdreg.scid  }
0x8b: {  	s0 =	sand.u32 $0x1, s1  }
0x8c: {  	s16 =	sshll.u32 s0, $0xA;
	s2 =	sadd.s32 s3, s2  }
0x8d: {  	s2 =	sadd.s32 s2, s16  }
0x8e: {  	[smem:$0x3FBD] =	sst s2  }
0x8f: {  	_ = 	snop  }
0x90: {  	(tm) =	ssettm $0x1  }
0x91: {  	s17 =	sld [smem:$0x3FFB];
	_ =	sdelay $0x3  }
0x92: {  	_ =	strace s17  }
0x93: {  	s2 =	sld [smem:$0x3FFC];
	_ =	sdelay $0x3  }
0x94: {  	_ =	strace s2  }
0x95: {  	s2 =	sld [smem:$0x3FFD];
	_ =	sdelay $0x3  }
0x96: {  	_ =	strace s2  }
0x97: {  	_ =	strace $0x8FFFFFFF  }
0x98: {  	s18 =	sld [smem:$0x3FDB];
	_ =	sdelay $0x1  }
0x99: {  	s19 =	simm.s32 $_scs_section_size  }
0x9a: {  	s4 =	simm.s32 $_size__tile_overlayer_lowered;
	s5 =	simm.s32 $_tile_overlayer_lowered  }
0x9b: {  	s22 =	simm.s32 $0x1BFF;
	s21 =	sshll.u32 s5, $0x1;
	s2 =	sadd.s32 s19, s18  }
0x9c: {  	s6 =	simm.s32 $0x0;
	s20 =	sshll.u32 s4, $0x1;
	s4 =	sadd.s32 s21, s2  }
0x9d: {  	[timem:s6], [sflag:s22] =	dma.local [hbm:s4], s20  }
0x9e: {  	_ =	swait.ge [sflag:s22], s20  }
0x9f: {  	s3 =	ssub.s32 $0x0, s20;
	[sflag:s22] =	ssyncset.done $0x0  }
0xa0: {  	[sflag:s22] =	ssyncadd.s32 s3;
	_ =	sdelay $0x1  }
0xa1: {  	s23 =	simm.s32 $0x1B8B  }
0xa2: {  	_ =	swait.ge [sflag:s23], $0x1  }
0xa3: {  	[sflag:s23] =	ssyncset.done $0x0  }
0xa4: {  	s25 =	simm.s32 $0x1B8E;
	s24 =	sld [smem:$0x3FFE];
	[sflag:s23] =	ssyncadd.s32 $0xFFFFFFFF  }
0xa5: {  	s26 =	simm.s32 $execute0_lowered;
	[smem:$0x3FD2] =	sst s25  }
0xa6: {  	s4 =	sshll.u32 s26, $0x1;
	_ =	strace $0x80000049;
	[dreg:$0x1] =	wrdreg $0xFFFFFFFF  }
0xa7: {  	s28 =	simm.s32 $_size_execute0_lowered;
	s2 =	sadd.s32 s2, s4;
	[dreg:$0x0] =	wrdreg $0x0  }
0xa8: {  	s4 =	sshll.u32 s28, $0x1;
	[dreg:$0x2] =	wrdreg s2  }
0xa9: {  	[dreg:$0x3] =	wrdreg s4  }
0xaa: {  	[dreg:$0x4] =	wrdreg $0xC0  }
0xab: {  	_ =	task [dreg:s6], $0x5FFFF  }
0xac: {  	[dreg:$0x1] =	wrdreg $0xFFFFFFFF  }
0xad: {  	[dreg:$0x0] =	wrdreg $0x60  }
0xae: {  	[dreg:$0x2] =	wrdreg s24  }
0xaf: {  	[dreg:$0x3] =	wrdreg $0xC0000  }
0xb0: {  	[dreg:$0x4] =	wrdreg $0x110000  }
0xb1: {  	[dreg:$0x5] =	wrdreg $0x9  }
0xb2: {  	_ =	task.clear_ibuf [dreg:s6], $0x6FFFF;
	_ =	strace $0x90000049  }
0xb3: {  	s29 =	simm.s32 $0x9;
	_ =	strace $0x8000004B  }
0xb4: {  	_ =	swait.ge [sflag:s29], $0x1  }
0xb5: {  	[sflag:s29] =	ssyncadd.s32 $0xFFFFFFFF  }
0xb6: {  	_ =	strace $0x9000004B  }
0xb7: {  	_ =	sfence  }
0xb8: {  	s30 =	sld [smem:$0x0];
	_ =	sdelay $0x2  }
0xb9: {  	s31 =	sshll.u32 s1, $0xD;
	s1 =	sshrl.u32 s1, $0x2  }
0xba: {  	s3 =	sand.u32 $0x4000, s31;
	s1 =	sadd.s32 s1, s30  }
0xbb: {  	s0 =	sor.u32 s3, s0;
	s1 =	sshll.u32 s1, $0x11  }
0xbc: {  	s0 =	sor.u32 s1, s0  }
0xbd: {  	s0 =	sadd.s32 $0x8F2B, s0  }
0xbe: {  	[sflag:s0] =	ssyncadd.remote.s32 $0x1  }
0xbf: {  	_ =	sfence.sel $0xFFFF  }
0xc0: {  	[dreg:$0x0] =	wrdreg $0xFFFFFFFF;
	(pc) =	sbr.abs _section_cstart, $3  }
0xc1: {  	[dreg:$0x1] =	wrdreg $0xFFFFFFFF  }
0xc2: {  	_ =	task.clear_ibuf [dreg:s6], $0x2FFFF;
	_ =	strace $0x9FFFFFFF  }
0xc3: {  	(tm) =	ssettm $0x7FFFFFFF  }
tec
execute0_lowered:
.L_overlay_start_1:
0x0: {  	(tag) =	ssettag $0x1  }
0x1: {  	s5 =	rddreg [dreg:$0x0]  }
0x2: {  	s2 =	rddreg [dreg:$0x1]  }
0x3: {  	s3 =	rddreg [dreg:$0x2]  }
0x4: {  	s0 =	rddreg [dreg:$0x3]  }
0x5: {  	s1 =	stileid.u32;
	s7 =	srdreg.scid;
	s4 =	simm.s32 $0x0  }
0x6: {  	s15 =	simm.s32 $0x2800;
	s16 =	simm.s32 $0x80;
	s17 =	simm.s32 $0x5000  }
0x7: {  	s18 =	simm.s32 $0x1;
	s19 =	simm.s32 $0x6000;
	s20 =	simm.s32 $0x2  }
0x8: {  	s21 =	simm.s32 $0x2780;
	s22 =	simm.s32 $0x4F00;
	s6 =	smul.u32 $0x4E20, s1  }
0x9: {  	s23 =	simm.s32 $0x4F80;
	s7 =	sand.u32 $0x1, s7;
	s8 =	smul.u32 $0x5000, s1  }
0xa: {  	[smem:$0x7FF] =	sst s4;
	s13 =	sshll.u32 s1, $0x6;
	s9 =	sshll.u32 s7, $0x4  }
0xb: {  	s10 =	smul.u32 $0x50000, s7;
	_ =	strace $0x8000004A;
	s7 =	ssub.s32 $0x2, s7  }
0xc: {  	s13 =	sor.u32 $0x1C03, s13;
	s11 =	sshrl.u32 s6, $0x3;
	s9 =	sor.u32 s1, s9  }
0xd: {  	s12 =	sshrl.u32 s7, $0x1;
	s14 =	sadd.s32 s6, s3;
	s9 =	smul.u32 $0x500, s9  }
0xe: {  	s10 =	sadd.s32 s8, s10;
	s11 =	sadd.s32 s11, s5;
	s12 =	ssub.s32 s7, s12  }
0xf: {  	s14 =	sshrl.u32 s14, $0x3;
	s10 =	sshrl.u32 s10, $0x3;
	s6 =	sadd.s32 $0xCC00, s11  }
0x10: {  	s11 =	simm.s32 $0x7000;
	s9 =	sadd.s32 s9, s5;
	s10 =	sadd.s32 s10, s5  }
0x11: {  	s5 =	sadd.s32 s8, s2;
	s7 =	sadd.s32 $0x20C00, s9;
	s8 =	sadd.s32 $0x2C00, s9  }
0x12: {  	v0 =	vimm.f32 $0.0e+00;
	s9 =	sadd.s32 $0x2AC00, s10;
	s10 =	smax.u32 s12, $0x1;
	s12 =	simm.s32 $0x3  }
.LBB2_1:
0x13: {  	s24 =	simm.s32 $0x80;
	s25 =	simm.s32 $0x0  }
.LBB2_2:
0x14: {  	p0 =	sne.s32 s24, $0x13F80;
	[tilespmem:s25+$0x7000] =	vst v0;
	s26 =	smov.u32 s24;
	s24 =	sadd.s32 $0x80, s24  }
.Ltmp0:
0x15: {  	[tilespmem:s25+$0x7010] =	vst v0;
	(pc) =	sbr.rel @p0 .LBB2_2-.Ltmp0, $2  }
0x16: {  	_ =	sdelay $0x2  }
0x17: {  	s25 =	sshra.s32 s26, $0x2  }
0x18: {  	[tilespmem:s25+$0x7000] =	vst v0  }
0x19: {  	[tilespmem:s25+$0x7010] =	vst v0  }
0x1a: {  	[spmem:s5] =	stream.linear.scatter [tilespmem:s11], [sflag:$0x3], $0x5000, $0x38;
	[tilespmem:$0x15E20] =	vst v63  }
0x1b: {  	_ =	swait.ge [sflag:s12], $0x5000  }
0x1c: {  	[sflag:s12] =	ssyncset.done $0x0  }
0x1d: {  	[sflag:s12] =	ssyncadd.s32 $0xFFFFB000  }
0x1e: {  	[spmem:s14], [sflag:s13] =	dma.local [hbm:s6], $0x9C4  }
0x1f: {  	_ =	swait.ge [sflag:s12], $0x9C4  }
0x20: {  	[sflag:s12] =	ssyncset.done $0x0  }
0x21: {  	[sflag:s12] =	ssyncadd.s32 $0xFFFFF63C  }
0x22: {  	s24 =	simm.s32 $0x0;
	[bflag:$0x0] =	sbarrier.arrive $0xFFFF  }
0x23: {  	[tilespmem:s24], [sflag:$0x3] =	stream.linear.gather [hbm4b:s7+s24], $0x2800, $0x38;
	[tilespmem:$0x15E20] =	vst v63  }
0x24: {  	_ =	swait.ge [sflag:s12], $0x2800  }
0x25: {  	[sflag:s12] =	ssyncset.done $0x0  }
0x26: {  	[sflag:s12] =	ssyncadd.s32 $0xFFFFD800  }
0x27: {  	[tilespmem:s15], [sflag:$0x3] =	stream.linear.gather [hbm4b:s8+s24], $0x2800, $0x38;
	[tilespmem:$0x15E20] =	vst v63  }
0x28: {  	_ =	swait.ge [sflag:s12], $0x2800  }
0x29: {  	[sflag:s12] =	ssyncset.done $0x0  }
0x2a: {  	[sflag:s12] =	ssyncadd.s32 $0xFFFFD800  }
0x2b: {  	[tilespmem:s17], [sflag:$0x1] =	stream.indirect.gather [spmem:s3], $0x20, s24, s16, $0xb8;
	[tilespmem:$0x15E20] =	vst v63  }
0x2c: {  	_ =	swait.ge [sflag:s18], $0x1000  }
0x2d: {  	[sflag:s18] =	ssyncset.done $0x0  }
0x2e: {  	s28 =	simm.s32 $0x80;
	[sflag:s18] =	ssyncadd.s32 $0xFFFFF000  }
0x2f: {  	[tilespmem:s19], [sflag:$0x2] =	stream.indirect.gather [spmem:s3], $0x20, s28, s16, $0xb8;
	[tilespmem:$0x15E20] =	vst v63  }
0x30: {  	s29 =	simm.s32 $0x2800  }
0x31: {  	[spmem:s2] =	stream.indirect.scatter.add.f32 [tilespmem:s17], [sflag:$0x3], $0x20, s29, s16, $0xb8;
	[tilespmem:$0x15E20] =	vst v63  }
0x32: {  	_ =	swait.ge [sflag:s12], $0x1000  }
0x33: {  	[sflag:s12] =	ssyncset.done $0x0  }
0x34: {  	[sflag:s12] =	ssyncadd.s32 $0xFFFFF000  }
0x35: {  	_ =	swait.ge [sflag:s20], $0x1000  }
0x36: {  	[sflag:s20] =	ssyncset.done $0x0  }
0x37: {  	s30 =	simm.s32 $0x100;
	[sflag:s20] =	ssyncadd.s32 $0xFFFFF000  }
0x38: {  	[tilespmem:s17], [sflag:$0x1] =	stream.indirect.gather [spmem:s3], $0x20, s30, s16, $0xb8;
	[tilespmem:$0x15E20] =	vst v63  }
0x39: {  	s31 =	simm.s32 $0x2880  }
0x3a: {  	[spmem:s2] =	stream.indirect.scatter.add.f32 [tilespmem:s19], [sflag:$0x3], $0x20, s31, s16, $0xb8;
	[tilespmem:$0x15E20] =	vst v63  }
0x3b: {  	_ =	swait.ge [sflag:s12], $0x1000  }
0x3c: {  	s24 =	simm.s32 $0x400;
	[sflag:s12] =	ssyncset.done $0x0  }
.LBB2_4:
0x3d: {  	p0 =	sne.s32 s24, $0x9800  }
0x3e: {  	[sflag:s12] =	ssyncadd.s32 $0xFFFFF000;
	s25 =	smov.u32 s24;
	s24 =	sadd.s32 $0x400, s24  }
0x3f: {  	_ = 	snop  }
0x40: {  	_ =	swait.ge [sflag:s18], $0x1000  }
0x41: {  	s25 =	sshra.s32 s25, $0x2;
	[sflag:s18] =	ssyncset.done $0x0  }
0x42: {  	s26 =	sadd.s32 $0x80, s25;
	[sflag:s18] =	ssyncadd.s32 $0xFFFFF000  }
0x43: {  	[tilespmem:s19], [sflag:$0x2] =	stream.indirect.gather [spmem:s3], $0x20, s26, s16, $0xb8;
	[tilespmem:$0x15E20] =	vst v63  }
0x44: {  	s26 =	sadd.s32 $0x2800, s25  }
0x45: {  	[spmem:s2] =	stream.indirect.scatter.add.f32 [tilespmem:s17], [sflag:$0x3], $0x20, s26, s16, $0xb8;
	[tilespmem:$0x15E20] =	vst v63  }
0x46: {  	_ =	swait.ge [sflag:s12], $0x1000  }
0x47: {  	[sflag:s12] =	ssyncset.done $0x0  }
0x48: {  	[sflag:s12] =	ssyncadd.s32 $0xFFFFF000  }
0x49: {  	_ =	swait.ge [sflag:s20], $0x1000  }
0x4a: {  	[sflag:s20] =	ssyncset.done $0x0  }
0x4b: {  	s26 =	sadd.s32 $0x100, s25;
	[sflag:s20] =	ssyncadd.s32 $0xFFFFF000  }
0x4c: {  	[tilespmem:s17], [sflag:$0x1] =	stream.indirect.gather [spmem:s3], $0x20, s26, s16, $0xb8;
	[tilespmem:$0x15E20] =	vst v63  }
.Ltmp1:
0x4d: {  	_ = 	snop;
	(pc) =	sbr.rel @p0 .LBB2_4-.Ltmp1, $4  }
0x4e: {  	s25 =	sadd.s32 $0x2880, s25  }
0x4f: {  	[spmem:s2] =	stream.indirect.scatter.add.f32 [tilespmem:s19], [sflag:$0x3], $0x20, s25, s16, $0xb8;
	[tilespmem:$0x15E20] =	vst v63  }
0x50: {  	_ =	swait.ge [sflag:s12], $0x1000  }
0x51: {  	[sflag:s12] =	ssyncset.done $0x0  }
0x52: {  	[sflag:s12] =	ssyncadd.s32 $0xFFFFF000  }
0x53: {  	_ =	swait.ge [sflag:s18], $0x1000  }
0x54: {  	[sflag:s18] =	ssyncset.done $0x0  }
0x55: {  	[sflag:s18] =	ssyncadd.s32 $0xFFFFF000  }
0x56: {  	[tilespmem:s19], [sflag:$0x2] =	stream.indirect.gather [spmem:s3], $0x20, s21, s16, $0xb8;
	[tilespmem:$0x15E20] =	vst v63  }
0x57: {  	_ = 	snop  }
0x58: {  	[spmem:s2] =	stream.indirect.scatter.add.f32 [tilespmem:s17], [sflag:$0x3], $0x20, s22, s16, $0xb8;
	[tilespmem:$0x15E20] =	vst v63  }
0x59: {  	_ =	swait.ge [sflag:s12], $0x1000  }
0x5a: {  	[sflag:s12] =	ssyncset.done $0x0  }
0x5b: {  	[sflag:s12] =	ssyncadd.s32 $0xFFFFF000  }
0x5c: {  	_ =	swait.ge [sflag:s20], $0x1000  }
0x5d: {  	[sflag:s20] =	ssyncset.done $0x0  }
0x5e: {  	[sflag:s20] =	ssyncadd.s32 $0xFFFFF000  }
0x5f: {  	[spmem:s2] =	stream.indirect.scatter.add.f32 [tilespmem:s19], [sflag:$0x3], $0x20, s23, s16, $0xb8;
	[tilespmem:$0x15E20] =	vst v63  }
0x60: {  	_ =	swait.ge [sflag:s12], $0x1000  }
0x61: {  	s4 =	sadd.s32 $0x1, s4;
	[sflag:s12] =	ssyncset.done $0x0  }
0x62: {  	p0 =	sne.s32 s4, s10;
	[sflag:s12] =	ssyncadd.s32 $0xFFFFF000  }
.Ltmp2:
0x63: {  	s24 =	sshrl.u32 s5, $0x3;
	[bflag:$0x0] =	sbarrier.arrive $0xFFFF;
	(pc) =	sbr.rel @p0 .LBB2_1-.Ltmp2, $4  }
0x64: {  	[hbm:s9], [sflag:s13] =	dma.local [spmem:s24], $0xA00  }
0x65: {  	_ =	swait.ge [sflag:s12], $0xA00  }
0x66: {  	[sflag:s12] =	ssyncset.done $0x0  }
0x67: {  	[sflag:s12] =	ssyncadd.s32 $0xFFFFF600  }
0x68: {  	_ =	sfence.sel $0x180000  }
0x69: {  	[bflag:$0x0] =	sbarrier.arrive $0xFFFF  }
0x6a: {  	p0 =	sne.s32 s1, $0x0;
	_ =	strace $0x9000004A  }
0x6b: {  	s0 =	sadd.s32 @!p0 $0x100000, s0;
	[bflag:$0x2] =	sbarrier.arrive $0xFFFF  }
0x6c: {  	[sflag:s0] =	ssyncadd.tile.s32 @!p0 $0x1;
	_ =	shalt  }
.Lfunc_end2:
_tile_overlayer_lowered:
.L_overlay_start_2:
0x6d: {  	(tag) =	ssettag $0x2  }
0x6e: {  	s0 =	rddreg [dreg:$0x0];
	s2 =	stileid.u32  }
0x6f: {  	s1 =	rddreg [dreg:$0x1];
	p0 =	sne.s32 s2, $0x0  }
0x70: {  	s3 =	rddreg [dreg:$0x2];
	[bflag:$0x3] =	sbarrier.arrive $0xFFFF;
	s2 =	simm.s32 @!p0 $0x1C03  }
0x71: {  	[timem:s3], [sflag:s2] =	dma.local @!p0 [hbm:s0], s1  }
0x72: {  	s0 =	simm.s32 @!p0 $0x3  }
0x73: {  	_ =	swait.ge @!p0 [sflag:s0], s1  }
0x74: {  	s1 =	ssub.s32 @!p0 $0x0, s1;
	[sflag:s0] =	ssyncset.done @!p0 $0x0  }
0x75: {  	[sflag:s0] =	ssyncadd.s32 @!p0 s1  }
0x76: {  	[bflag:$0x3] =	sbarrier.arrive $0xFFFF  }
0x77: {  	_ =	shalt  }

// kernel: kernel.16.cloned.1.call-start
scs
__scs_entry_jumppad:
0x0: {  	(pc) =	sbr.rel $0x88, $3  }
0x1: {  	(tag) =	ssettag $0x0;
	lr =	simm.s32 $0x1  }
0x2: {  	[smem:$0x3F96] =	sst lr;
	_ =	strace $0xD0000000  }
0x3: {  	_ = 	snop  }
0x4: {  	_ = 	snop  }
0x5: {  	_ = 	snop  }
0x6: {  	_ = 	snop  }
0x7: {  	_ = 	snop  }
__scs_overlays_trampoline_lowered:
0x8: {  	[smem:$0x3FA5] =	sst s0  }
0x9: {  	[smem:$0x3FA6] =	sst s1  }
0xa: {  	[smem:$0x3FA7] =	sst s2  }
0xb: {  	[smem:$0x3FA8] =	sst s3  }
0xc: {  	[smem:$0x3FA9] =	sst s4  }
0xd: {  	[smem:$0x3FAA] =	sst s5  }
0xe: {  	[smem:$0x3FAB] =	sst s6  }
0xf: {  	[smem:$0x3FAC] =	sst s7  }
0x10: {  	[smem:$0x3FAD] =	sst s8  }
0x11: {  	[smem:$0x3FAE] =	sst s9;
	s0 =	simm.s32 @!p0 $0x0  }
0x12: {  	s1 =	sld [smem:$0x3F94];
	s0 =	simm.s32 @p0 $0x1  }
0x13: {  	[smem:$0x3FAF] =	sst s0;
	s0 =	simm.s32 @!p1 $0x0  }
0x14: {  	s2 =	sld [smem:$0x3F93];
	s0 =	simm.s32 @p1 $0x1  }
0x15: {  	[smem:$0x3FB0] =	sst s0;
	s0 =	simm.s32 @!p2 $0x0  }
0x16: {  	s3 =	sld [smem:$0x3FDB];
	s0 =	simm.s32 @p2 $0x1  }
0x17: {  	s4 =	simm.s32 $0x1BF5;
	[smem:$0x3FB2] =	sst s0  }
0x18: {  	s0 =	sld [smem:$0x3F95];
	_ =	swait.ge [sflag:s4], $0x0  }
0x19: {  	s7 =	sld [smem:$0x3F96]  }
0x1a: {  	s8 =	sadd.s32 $0xFFFFE003, lr  }
0x1b: {  	s9 =	sadd.s32 $0xFFFFFEF7, lr;
	s5 =	simm.s32 $0xFFFFFFFF;
	p2 =	slt.u32 s8, $0xFFFFF086  }
0x1c: {  	p1 =	slt.u32 s9, $0xF7A;
	s5 =	simm.s32 @!p2 $0x0  }
0x1d: {  	s5 =	simm.s32 @p1 $0x1;
	p0 =	seq.s32 s7, s2  }
0x1e: {  	s7 =	smul.u32 @!p0 $0xF7A, s2;
	p2 =	seq.s32 @!p0 s5, $0x0  }
0x1f: {  	s9 =	smul.u32 $0xF7A, s1;
	s8 =	simm.s32 @!p0 $0x1BF5;
	p2 =	por !p2, p0  }
0x20: {  	[sflag:s8] =	ssyncset.s32 @!p0 $0xFFFFF086;
	s6 =	sadd.s32 @!p0 s3, s7;
	s7 =	simm.s32 @!p0 $0x108  }
0x21: {  	s3 =	sadd.s32 s3, s9;
	s6 =	sadd.s32 @!p0 $0x88, s6;
	s7 =	simm.s32 @p2 $0x1082  }
0x22: {  	[simem:s7], [sflag:s8] =	dma.local @!p0 [hbm:s6], $0xF7A  }
0x23: {  	s9 =	sor.u32 $0xD0000000, s2;
	s6 =	simm.s32 $0x108;
	_ =	swait.ge @!p0 [sflag:s8], $0x0  }
0x24: {  	s3 =	sadd.s32 $0x88, s3;
	s6 =	simm.s32 @!p1 $0x1082;
	[sflag:s4] =	ssyncset.s32 $0xFFFFF086  }
0x25: {  	[simem:s6], [sflag:s4] =	dma.local [hbm:s3], $0xF7A  }
0x26: {  	[smem:$0x3F96] =	sst s1;
	(tag) =	ssettag s2;
	_ =	strace s9  }
0x27: {  	s1 =	sld [smem:$0x3FA6]  }
0x28: {  	s2 =	sld [smem:$0x3FA7]  }
0x29: {  	s4 =	sld [smem:$0x3FA9]  }
0x2a: {  	p0 =	seq.s32 s5, $0x0;
	s5 =	sld [smem:$0x3FAA]  }
0x2b: {  	s6 =	sld [smem:$0x3FAB]  }
0x2c: {  	s7 =	sld [smem:$0x3FAC]  }
0x2d: {  	s3 =	simm.s32 $0x108;
	s8 =	sld [smem:$0x3FAD]  }
0x2e: {  	s3 =	simm.s32 @!p0 $0x1082;
	s9 =	sld [smem:$0x3FAE]  }
0x2f: {  	lr =	sadd.s32 s0, s3;
	s0 =	sld [smem:$0x3FA5]  }
0x30: {  	s3 =	sld [smem:$0x3FA8]  }
0x31: {  	[smem:$0x3FB1] =	sst s10  }
0x32: {  	s10 =	sld [smem:$0x3FAF];
	_ =	sdelay $0x3  }
0x33: {  	p0 =	seq.s32 s10, $0x1;
	s10 =	sld [smem:$0x3FB1];
	_ =	sdelay $0x3  }
0x34: {  	[smem:$0x3FB1] =	sst s10  }
0x35: {  	s10 =	sld [smem:$0x3FB0];
	_ =	sdelay $0x3  }
0x36: {  	p1 =	seq.s32 s10, $0x1;
	s10 =	sld [smem:$0x3FB1];
	_ =	sdelay $0x3  }
0x37: {  	[smem:$0x3FB1] =	sst s10  }
0x38: {  	s10 =	sld [smem:$0x3FB2]  }
0x39: {  	_ = 	snop;
	(pc) =	sbr.ind lr, $3  }
0x3a: {  	_ = 	snop  }
0x3b: {  	_ = 	snop  }
0x3c: {  	p2 =	seq.s32 s10, $0x1;
	s10 =	sld [smem:$0x3FB1]  }
0x3d: {  	_ =	shalt  }
0x3e: {  	_ =	shalt  }
0x3f: {  	_ =	shalt  }
0x40: {  	_ =	shalt  }
0x41: {  	_ =	shalt  }
0x42: {  	_ =	shalt  }
0x43: {  	_ =	shalt  }
0x44: {  	_ =	shalt  }
0x45: {  	_ =	shalt  }
0x46: {  	_ =	shalt  }
0x47: {  	_ =	shalt  }
0x48: {  	_ =	shalt  }
0x49: {  	_ =	shalt  }
0x4a: {  	_ =	shalt  }
0x4b: {  	_ =	shalt  }
0x4c: {  	_ =	shalt  }
0x4d: {  	_ =	shalt  }
0x4e: {  	_ =	shalt  }
0x4f: {  	_ =	shalt  }
0x50: {  	_ =	shalt  }
0x51: {  	_ =	shalt  }
0x52: {  	_ =	shalt  }
0x53: {  	_ =	shalt  }
0x54: {  	_ =	shalt  }
0x55: {  	_ =	shalt  }
0x56: {  	_ =	shalt  }
0x57: {  	_ =	shalt  }
0x58: {  	_ =	shalt  }
0x59: {  	_ =	shalt  }
0x5a: {  	_ =	shalt  }
0x5b: {  	_ =	shalt  }
0x5c: {  	_ =	shalt  }
0x5d: {  	_ =	shalt  }
0x5e: {  	_ =	shalt  }
0x5f: {  	_ =	shalt  }
0x60: {  	_ =	shalt  }
0x61: {  	_ =	shalt  }
0x62: {  	_ =	shalt  }
0x63: {  	_ =	shalt  }
0x64: {  	_ =	shalt  }
0x65: {  	_ =	shalt  }
0x66: {  	_ =	shalt  }
0x67: {  	_ =	shalt  }
0x68: {  	_ =	shalt  }
0x69: {  	_ =	shalt  }
0x6a: {  	_ =	shalt  }
0x6b: {  	_ =	shalt  }
0x6c: {  	_ =	shalt  }
0x6d: {  	_ =	shalt  }
0x6e: {  	_ =	shalt  }
0x6f: {  	_ =	shalt  }
0x70: {  	_ =	shalt  }
0x71: {  	_ =	shalt  }
0x72: {  	_ =	shalt  }
0x73: {  	_ =	shalt  }
0x74: {  	_ =	shalt  }
0x75: {  	_ =	shalt  }
0x76: {  	_ =	shalt  }
0x77: {  	_ =	shalt  }
0x78: {  	_ =	shalt  }
0x79: {  	_ =	shalt  }
0x7a: {  	_ =	shalt  }
0x7b: {  	_ =	shalt  }
0x7c: {  	_ =	shalt  }
0x7d: {  	_ =	shalt  }
0x7e: {  	_ =	shalt  }
0x7f: {  	_ =	shalt  }
0x80: {  	_ =	shalt  }
0x81: {  	_ =	shalt  }
0x82: {  	_ =	shalt  }
0x83: {  	_ =	shalt  }
0x84: {  	_ =	shalt  }
0x85: {  	_ =	shalt  }
0x86: {  	_ =	shalt  }
0x87: {  	_ =	shalt  }
.Lfunc_end0:
.L_simem_size_0:
called_computation.2_lowered:
.L_overlay_start_0:
0x88: {  	s2 =	sld [smem:$0x3FD9]  }
0x89: {  	s3 =	sld [smem:$0x3FFE];
	_ =	sdelay $0x1  }
0x8a: {  	s1 =	srdreg.scid  }
0x8b: {  	s0 =	sand.u32 $0x1, s1  }
0x8c: {  	s16 =	sshll.u32 s0, $0xA;
	s2 =	sadd.s32 s3, s2  }
0x8d: {  	s2 =	sadd.s32 s2, s16  }
0x8e: {  	[smem:$0x3FBD] =	sst s2  }
0x8f: {  	_ = 	snop  }
0x90: {  	(tm) =	ssettm $0x1  }
0x91: {  	s17 =	sld [smem:$0x3FFB];
	_ =	sdelay $0x3  }
0x92: {  	_ =	strace s17  }
0x93: {  	s2 =	sld [smem:$0x3FFC];
	_ =	sdelay $0x3  }
0x94: {  	_ =	strace s2  }
0x95: {  	s2 =	sld [smem:$0x3FFD];
	_ =	sdelay $0x3  }
0x96: {  	_ =	strace s2  }
0x97: {  	_ =	strace $0x8FFFFFFF  }
0x98: {  	s18 =	sld [smem:$0x3FDB];
	_ =	sdelay $0x1  }
0x99: {  	s19 =	simm.s32 $_scs_section_size  }
0x9a: {  	s4 =	simm.s32 $_size__tile_overlayer_lowered;
	s5 =	simm.s32 $_tile_overlayer_lowered  }
0x9b: {  	s22 =	simm.s32 $0x1BFF;
	s21 =	sshll.u32 s5, $0x1;
	s2 =	sadd.s32 s19, s18  }
0x9c: {  	s6 =	simm.s32 $0x0;
	s20 =	sshll.u32 s4, $0x1;
	s4 =	sadd.s32 s21, s2  }
0x9d: {  	[timem:s6], [sflag:s22] =	dma.local [hbm:s4], s20  }
0x9e: {  	_ =	swait.ge [sflag:s22], s20  }
0x9f: {  	s3 =	ssub.s32 $0x0, s20;
	[sflag:s22] =	ssyncset.done $0x0  }
0xa0: {  	[sflag:s22] =	ssyncadd.s32 s3;
	_ =	sdelay $0x1  }
0xa1: {  	s23 =	simm.s32 $0x1B8B  }
0xa2: {  	_ =	swait.ge [sflag:s23], $0x1  }
0xa3: {  	[sflag:s23] =	ssyncset.done $0x0  }
0xa4: {  	s25 =	simm.s32 $0x1B8E;
	s24 =	sld [smem:$0x3FFE];
	[sflag:s23] =	ssyncadd.s32 $0xFFFFFFFF  }
0xa5: {  	s26 =	simm.s32 $execute0_lowered;
	[smem:$0x3FD2] =	sst s25  }
0xa6: {  	s4 =	sshll.u32 s26, $0x1;
	_ =	strace $0x8000004C;
	[dreg:$0x1] =	wrdreg $0xFFFFFFFF  }
0xa7: {  	s28 =	simm.s32 $_size_execute0_lowered;
	s2 =	sadd.s32 s2, s4;
	[dreg:$0x0] =	wrdreg $0x0  }
0xa8: {  	s4 =	sshll.u32 s28, $0x1;
	[dreg:$0x2] =	wrdreg s2  }
0xa9: {  	[dreg:$0x3] =	wrdreg s4  }
0xaa: {  	[dreg:$0x4] =	wrdreg $0xC0  }
0xab: {  	_ =	task [dreg:s6], $0x5FFFF  }
0xac: {  	[dreg:$0x1] =	wrdreg $0xFFFFFFFF  }
0xad: {  	[dreg:$0x0] =	wrdreg $0x60  }
0xae: {  	[dreg:$0x2] =	wrdreg s24  }
0xaf: {  	[dreg:$0x3] =	wrdreg $0xC0000  }
0xb0: {  	[dreg:$0x4] =	wrdreg $0x110000  }
0xb1: {  	[dreg:$0x5] =	wrdreg $0x9  }
0xb2: {  	_ =	task.clear_ibuf [dreg:s6], $0x6FFFF;
	_ =	strace $0x9000004C  }
0xb3: {  	s29 =	simm.s32 $0x9;
	_ =	strace $0x8000004E  }
0xb4: {  	_ =	swait.ge [sflag:s29], $0x1  }
0xb5: {  	[sflag:s29] =	ssyncadd.s32 $0xFFFFFFFF  }
0xb6: {  	_ =	strace $0x9000004E  }
0xb7: {  	_ =	sfence  }
0xb8: {  	s30 =	sld [smem:$0x0];
	_ =	sdelay $0x2  }
0xb9: {  	s31 =	sshll.u32 s1, $0xD;
	s1 =	sshrl.u32 s1, $0x2  }
0xba: {  	s3 =	sand.u32 $0x4000, s31;
	s1 =	sadd.s32 s1, s30  }
0xbb: {  	s0 =	sor.u32 s3, s0;
	s1 =	sshll.u32 s1, $0x11  }
0xbc: {  	s0 =	sor.u32 s1, s0  }
0xbd: {  	s0 =	sadd.s32 $0x8F2B, s0  }
0xbe: {  	[sflag:s0] =	ssyncadd.remote.s32 $0x1  }
0xbf: {  	_ =	sfence.sel $0xFFFF  }
0xc0: {  	[dreg:$0x0] =	wrdreg $0xFFFFFFFF;
	(pc) =	sbr.abs _section_cstart, $3  }
0xc1: {  	[dreg:$0x1] =	wrdreg $0xFFFFFFFF  }
0xc2: {  	_ =	task.clear_ibuf [dreg:s6], $0x2FFFF;
	_ =	strace $0x9FFFFFFF  }
0xc3: {  	(tm) =	ssettm $0x7FFFFFFF  }
tec
execute0_lowered:
.L_overlay_start_1:
0x0: {  	(tag) =	ssettag $0x1  }
0x1: {  	s5 =	rddreg [dreg:$0x0]  }
0x2: {  	s2 =	rddreg [dreg:$0x1]  }
0x3: {  	s3 =	rddreg [dreg:$0x2]  }
0x4: {  	s0 =	rddreg [dreg:$0x3]  }
0x5: {  	s1 =	stileid.u32;
	s7 =	srdreg.scid;
	s4 =	simm.s32 $0x0  }
0x6: {  	s15 =	simm.s32 $0x2800;
	s16 =	simm.s32 $0x80;
	s17 =	simm.s32 $0x5000  }
0x7: {  	s18 =	simm.s32 $0x1;
	s19 =	simm.s32 $0x6000;
	s20 =	simm.s32 $0x2  }
0x8: {  	s21 =	simm.s32 $0x2780;
	s22 =	simm.s32 $0x4F00;
	s6 =	smul.u32 $0x4E20, s1  }
0x9: {  	s23 =	simm.s32 $0x4F80;
	s7 =	sand.u32 $0x1, s7;
	s8 =	smul.u32 $0x5000, s1  }
0xa: {  	[smem:$0x7FF] =	sst s4;
	s13 =	sshll.u32 s1, $0x6;
	s9 =	sshll.u32 s7, $0x4  }
0xb: {  	s10 =	smul.u32 $0x50000, s7;
	_ =	strace $0x8000004D;
	s7 =	ssub.s32 $0x2, s7  }
0xc: {  	s13 =	sor.u32 $0x1C03, s13;
	s11 =	sshrl.u32 s6, $0x3;
	s9 =	sor.u32 s1, s9  }
0xd: {  	s12 =	sshrl.u32 s7, $0x1;
	s14 =	sadd.s32 s6, s3;
	s9 =	smul.u32 $0x500, s9  }
0xe: {  	s10 =	sadd.s32 s8, s10;
	s11 =	sadd.s32 s11, s5;
	s12 =	ssub.s32 s7, s12  }
0xf: {  	s14 =	sshrl.u32 s14, $0x3;
	s10 =	sshrl.u32 s10, $0x3;
	s6 =	sadd.s32 $0xCC00, s11  }
0x10: {  	s11 =	simm.s32 $0x7000;
	s9 =	sadd.s32 s9, s5;
	s10 =	sadd.s32 s10, s5  }
0x11: {  	s5 =	sadd.s32 s8, s2;
	s7 =	sadd.s32 $0x20C00, s9;
	s8 =	sadd.s32 $0x2C00, s9  }
0x12: {  	v0 =	vimm.f32 $0.0e+00;
	s9 =	sadd.s32 $0x2AC00, s10;
	s10 =	smax.u32 s12, $0x1;
	s12 =	simm.s32 $0x3  }
.LBB2_1:
0x13: {  	s24 =	simm.s32 $0x80;
	s25 =	simm.s32 $0x0  }
.LBB2_2:
0x14: {  	p0 =	sne.s32 s24, $0x13F80;
	[tilespmem:s25+$0x7000] =	vst v0;
	s26 =	smov.u32 s24;
	s24 =	sadd.s32 $0x80, s24  }
.Ltmp0:
0x15: {  	[tilespmem:s25+$0x7010] =	vst v0;
	(pc) =	sbr.rel @p0 .LBB2_2-.Ltmp0, $2  }
0x16: {  	_ =	sdelay $0x2  }
0x17: {  	s25 =	sshra.s32 s26, $0x2  }
0x18: {  	[tilespmem:s25+$0x7000] =	vst v0  }
0x19: {  	[tilespmem:s25+$0x7010] =	vst v0  }
0x1a: {  	[spmem:s5] =	stream.linear.scatter [tilespmem:s11], [sflag:$0x3], $0x5000, $0x38;
	[tilespmem:$0x15E20] =	vst v63  }
0x1b: {  	_ =	swait.ge [sflag:s12], $0x5000  }
0x1c: {  	[sflag:s12] =	ssyncset.done $0x0  }
0x1d: {  	[sflag:s12] =	ssyncadd.s32 $0xFFFFB000  }
0x1e: {  	[spmem:s14], [sflag:s13] =	dma.local [hbm:s6], $0x9C4  }
0x1f: {  	_ =	swait.ge [sflag:s12], $0x9C4  }
0x20: {  	[sflag:s12] =	ssyncset.done $0x0  }
0x21: {  	[sflag:s12] =	ssyncadd.s32 $0xFFFFF63C  }
0x22: {  	s24 =	simm.s32 $0x0;
	[bflag:$0x0] =	sbarrier.arrive $0xFFFF  }
0x23: {  	[tilespmem:s24], [sflag:$0x3] =	stream.linear.gather [hbm4b:s7+s24], $0x2800, $0x38;
	[tilespmem:$0x15E20] =	vst v63  }
0x24: {  	_ =	swait.ge [sflag:s12], $0x2800  }
0x25: {  	[sflag:s12] =	ssyncset.done $0x0  }
0x26: {  	[sflag:s12] =	ssyncadd.s32 $0xFFFFD800  }
0x27: {  	[tilespmem:s15], [sflag:$0x3] =	stream.linear.gather [hbm4b:s8+s24], $0x2800, $0x38;
	[tilespmem:$0x15E20] =	vst v63  }
0x28: {  	_ =	swait.ge [sflag:s12], $0x2800  }
0x29: {  	[sflag:s12] =	ssyncset.done $0x0  }
0x2a: {  	[sflag:s12] =	ssyncadd.s32 $0xFFFFD800  }
0x2b: {  	[tilespmem:s17], [sflag:$0x1] =	stream.indirect.gather [spmem:s3], $0x20, s24, s16, $0xb8;
	[tilespmem:$0x15E20] =	vst v63  }
0x2c: {  	_ =	swait.ge [sflag:s18], $0x1000  }
0x2d: {  	[sflag:s18] =	ssyncset.done $0x0  }
0x2e: {  	s28 =	simm.s32 $0x80;
	[sflag:s18] =	ssyncadd.s32 $0xFFFFF000  }
0x2f: {  	[tilespmem:s19], [sflag:$0x2] =	stream.indirect.gather [spmem:s3], $0x20, s28, s16, $0xb8;
	[tilespmem:$0x15E20] =	vst v63  }
0x30: {  	s29 =	simm.s32 $0x2800  }
0x31: {  	[spmem:s2] =	stream.indirect.scatter.add.f32 [tilespmem:s17], [sflag:$0x3], $0x20, s29, s16, $0xb8;
	[tilespmem:$0x15E20] =	vst v63  }
0x32: {  	_ =	swait.ge [sflag:s12], $0x1000  }
0x33: {  	[sflag:s12] =	ssyncset.done $0x0  }
0x34: {  	[sflag:s12] =	ssyncadd.s32 $0xFFFFF000  }
0x35: {  	_ =	swait.ge [sflag:s20], $0x1000  }
0x36: {  	[sflag:s20] =	ssyncset.done $0x0  }
0x37: {  	s30 =	simm.s32 $0x100;
	[sflag:s20] =	ssyncadd.s32 $0xFFFFF000  }
0x38: {  	[tilespmem:s17], [sflag:$0x1] =	stream.indirect.gather [spmem:s3], $0x20, s30, s16, $0xb8;
	[tilespmem:$0x15E20] =	vst v63  }
0x39: {  	s31 =	simm.s32 $0x2880  }
0x3a: {  	[spmem:s2] =	stream.indirect.scatter.add.f32 [tilespmem:s19], [sflag:$0x3], $0x20, s31, s16, $0xb8;
	[tilespmem:$0x15E20] =	vst v63  }
0x3b: {  	_ =	swait.ge [sflag:s12], $0x1000  }
0x3c: {  	s24 =	simm.s32 $0x400;
	[sflag:s12] =	ssyncset.done $0x0  }
.LBB2_4:
0x3d: {  	p0 =	sne.s32 s24, $0x9800  }
0x3e: {  	[sflag:s12] =	ssyncadd.s32 $0xFFFFF000;
	s25 =	smov.u32 s24;
	s24 =	sadd.s32 $0x400, s24  }
0x3f: {  	_ = 	snop  }
0x40: {  	_ =	swait.ge [sflag:s18], $0x1000  }
0x41: {  	s25 =	sshra.s32 s25, $0x2;
	[sflag:s18] =	ssyncset.done $0x0  }
0x42: {  	s26 =	sadd.s32 $0x80, s25;
	[sflag:s18] =	ssyncadd.s32 $0xFFFFF000  }
0x43: {  	[tilespmem:s19], [sflag:$0x2] =	stream.indirect.gather [spmem:s3], $0x20, s26, s16, $0xb8;
	[tilespmem:$0x15E20] =	vst v63  }
0x44: {  	s26 =	sadd.s32 $0x2800, s25  }
0x45: {  	[spmem:s2] =	stream.indirect.scatter.add.f32 [tilespmem:s17], [sflag:$0x3], $0x20, s26, s16, $0xb8;
	[tilespmem:$0x15E20] =	vst v63  }
0x46: {  	_ =	swait.ge [sflag:s12], $0x1000  }
0x47: {  	[sflag:s12] =	ssyncset.done $0x0  }
0x48: {  	[sflag:s12] =	ssyncadd.s32 $0xFFFFF000  }
0x49: {  	_ =	swait.ge [sflag:s20], $0x1000  }
0x4a: {  	[sflag:s20] =	ssyncset.done $0x0  }
0x4b: {  	s26 =	sadd.s32 $0x100, s25;
	[sflag:s20] =	ssyncadd.s32 $0xFFFFF000  }
0x4c: {  	[tilespmem:s17], [sflag:$0x1] =	stream.indirect.gather [spmem:s3], $0x20, s26, s16, $0xb8;
	[tilespmem:$0x15E20] =	vst v63  }
.Ltmp1:
0x4d: {  	_ = 	snop;
	(pc) =	sbr.rel @p0 .LBB2_4-.Ltmp1, $4  }
0x4e: {  	s25 =	sadd.s32 $0x2880, s25  }
0x4f: {  	[spmem:s2] =	stream.indirect.scatter.add.f32 [tilespmem:s19], [sflag:$0x3], $0x20, s25, s16, $0xb8;
	[tilespmem:$0x15E20] =	vst v63  }
0x50: {  	_ =	swait.ge [sflag:s12], $0x1000  }
0x51: {  	[sflag:s12] =	ssyncset.done $0x0  }
0x52: {  	[sflag:s12] =	ssyncadd.s32 $0xFFFFF000  }
0x53: {  	_ =	swait.ge [sflag:s18], $0x1000  }
0x54: {  	[sflag:s18] =	ssyncset.done $0x0  }
0x55: {  	[sflag:s18] =	ssyncadd.s32 $0xFFFFF000  }
0x56: {  	[tilespmem:s19], [sflag:$0x2] =	stream.indirect.gather [spmem:s3], $0x20, s21, s16, $0xb8;
	[tilespmem:$0x15E20] =	vst v63  }
0x57: {  	_ = 	snop  }
0x58: {  	[spmem:s2] =	stream.indirect.scatter.add.f32 [tilespmem:s17], [sflag:$0x3], $0x20, s22, s16, $0xb8;
	[tilespmem:$0x15E20] =	vst v63  }
0x59: {  	_ =	swait.ge [sflag:s12], $0x1000  }
0x5a: {  	[sflag:s12] =	ssyncset.done $0x0  }
0x5b: {  	[sflag:s12] =	ssyncadd.s32 $0xFFFFF000  }
0x5c: {  	_ =	swait.ge [sflag:s20], $0x1000  }
0x5d: {  	[sflag:s20] =	ssyncset.done $0x0  }
0x5e: {  	[sflag:s20] =	ssyncadd.s32 $0xFFFFF000  }
0x5f: {  	[spmem:s2] =	stream.indirect.scatter.add.f32 [tilespmem:s19], [sflag:$0x3], $0x20, s23, s16, $0xb8;
	[tilespmem:$0x15E20] =	vst v63  }
0x60: {  	_ =	swait.ge [sflag:s12], $0x1000  }
0x61: {  	s4 =	sadd.s32 $0x1, s4;
	[sflag:s12] =	ssyncset.done $0x0  }
0x62: {  	p0 =	sne.s32 s4, s10;
	[sflag:s12] =	ssyncadd.s32 $0xFFFFF000  }
.Ltmp2:
0x63: {  	s24 =	sshrl.u32 s5, $0x3;
	[bflag:$0x0] =	sbarrier.arrive $0xFFFF;
	(pc) =	sbr.rel @p0 .LBB2_1-.Ltmp2, $4  }
0x64: {  	[hbm:s9], [sflag:s13] =	dma.local [spmem:s24], $0xA00  }
0x65: {  	_ =	swait.ge [sflag:s12], $0xA00  }
0x66: {  	[sflag:s12] =	ssyncset.done $0x0  }
0x67: {  	[sflag:s12] =	ssyncadd.s32 $0xFFFFF600  }
0x68: {  	_ =	sfence.sel $0x180000  }
0x69: {  	[bflag:$0x0] =	sbarrier.arrive $0xFFFF  }
0x6a: {  	p0 =	sne.s32 s1, $0x0;
	_ =	strace $0x9000004D  }
0x6b: {  	s0 =	sadd.s32 @!p0 $0x100000, s0;
	[bflag:$0x2] =	sbarrier.arrive $0xFFFF  }
0x6c: {  	[sflag:s0] =	ssyncadd.tile.s32 @!p0 $0x1;
	_ =	shalt  }
.Lfunc_end2:
_tile_overlayer_lowered:
.L_overlay_start_2:
0x6d: {  	(tag) =	ssettag $0x2  }
0x6e: {  	s0 =	rddreg [dreg:$0x0];
	s2 =	stileid.u32  }
0x6f: {  	s1 =	rddreg [dreg:$0x1];
	p0 =	sne.s32 s2, $0x0  }
0x70: {  	s3 =	rddreg [dreg:$0x2];
	[bflag:$0x3] =	sbarrier.arrive $0xFFFF;
	s2 =	simm.s32 @!p0 $0x1C03  }
0x71: {  	[timem:s3], [sflag:s2] =	dma.local @!p0 [hbm:s0], s1  }
0x72: {  	s0 =	simm.s32 @!p0 $0x3  }
0x73: {  	_ =	swait.ge @!p0 [sflag:s0], s1  }
0x74: {  	s1 =	ssub.s32 @!p0 $0x0, s1;
	[sflag:s0] =	ssyncset.done @!p0 $0x0  }
0x75: {  	[sflag:s0] =	ssyncadd.s32 @!p0 s1  }
0x76: {  	[bflag:$0x3] =	sbarrier.arrive $0xFFFF  }
0x77: {  	_ =	shalt  }

// kernel: kernel.19.cloned.1.call-start
scs
__scs_entry_jumppad:
0x0: {  	(pc) =	sbr.rel $0x88, $3  }
0x1: {  	(tag) =	ssettag $0x0;
	lr =	simm.s32 $0x1  }
0x2: {  	[smem:$0x3F96] =	sst lr;
	_ =	strace $0xD0000000  }
0x3: {  	_ = 	snop  }
0x4: {  	_ = 	snop  }
0x5: {  	_ = 	snop  }
0x6: {  	_ = 	snop  }
0x7: {  	_ = 	snop  }
__scs_overlays_trampoline_lowered:
0x8: {  	[smem:$0x3FA5] =	sst s0  }
0x9: {  	[smem:$0x3FA6] =	sst s1  }
0xa: {  	[smem:$0x3FA7] =	sst s2  }
0xb: {  	[smem:$0x3FA8] =	sst s3  }
0xc: {  	[smem:$0x3FA9] =	sst s4  }
0xd: {  	[smem:$0x3FAA] =	sst s5  }
0xe: {  	[smem:$0x3FAB] =	sst s6  }
0xf: {  	[smem:$0x3FAC] =	sst s7  }
0x10: {  	[smem:$0x3FAD] =	sst s8  }
0x11: {  	[smem:$0x3FAE] =	sst s9;
	s0 =	simm.s32 @!p0 $0x0  }
0x12: {  	s1 =	sld [smem:$0x3F94];
	s0 =	simm.s32 @p0 $0x1  }
0x13: {  	[smem:$0x3FAF] =	sst s0;
	s0 =	simm.s32 @!p1 $0x0  }
0x14: {  	s2 =	sld [smem:$0x3F93];
	s0 =	simm.s32 @p1 $0x1  }
0x15: {  	[smem:$0x3FB0] =	sst s0;
	s0 =	simm.s32 @!p2 $0x0  }
0x16: {  	s3 =	sld [smem:$0x3FDB];
	s0 =	simm.s32 @p2 $0x1  }
0x17: {  	s4 =	simm.s32 $0x1BF5;
	[smem:$0x3FB2] =	sst s0  }
0x18: {  	s0 =	sld [smem:$0x3F95];
	_ =	swait.ge [sflag:s4], $0x0  }
0x19: {  	s7 =	sld [smem:$0x3F96]  }
0x1a: {  	s8 =	sadd.s32 $0xFFFFE003, lr  }
0x1b: {  	s9 =	sadd.s32 $0xFFFFFEF7, lr;
	s5 =	simm.s32 $0xFFFFFFFF;
	p2 =	slt.u32 s8, $0xFFFFF086  }
0x1c: {  	p1 =	slt.u32 s9, $0xF7A;
	s5 =	simm.s32 @!p2 $0x0  }
0x1d: {  	s5 =	simm.s32 @p1 $0x1;
	p0 =	seq.s32 s7, s2  }
0x1e: {  	s7 =	smul.u32 @!p0 $0xF7A, s2;
	p2 =	seq.s32 @!p0 s5, $0x0  }
0x1f: {  	s9 =	smul.u32 $0xF7A, s1;
	s8 =	simm.s32 @!p0 $0x1BF5;
	p2 =	por !p2, p0  }
0x20: {  	[sflag:s8] =	ssyncset.s32 @!p0 $0xFFFFF086;
	s6 =	sadd.s32 @!p0 s3, s7;
	s7 =	simm.s32 @!p0 $0x108  }
0x21: {  	s3 =	sadd.s32 s3, s9;
	s6 =	sadd.s32 @!p0 $0x88, s6;
	s7 =	simm.s32 @p2 $0x1082  }
0x22: {  	[simem:s7], [sflag:s8] =	dma.local @!p0 [hbm:s6], $0xF7A  }
0x23: {  	s9 =	sor.u32 $0xD0000000, s2;
	s6 =	simm.s32 $0x108;
	_ =	swait.ge @!p0 [sflag:s8], $0x0  }
0x24: {  	s3 =	sadd.s32 $0x88, s3;
	s6 =	simm.s32 @!p1 $0x1082;
	[sflag:s4] =	ssyncset.s32 $0xFFFFF086  }
0x25: {  	[simem:s6], [sflag:s4] =	dma.local [hbm:s3], $0xF7A  }
0x26: {  	[smem:$0x3F96] =	sst s1;
	(tag) =	ssettag s2;
	_ =	strace s9  }
0x27: {  	s1 =	sld [smem:$0x3FA6]  }
0x28: {  	s2 =	sld [smem:$0x3FA7]  }
0x29: {  	s4 =	sld [smem:$0x3FA9]  }
0x2a: {  	p0 =	seq.s32 s5, $0x0;
	s5 =	sld [smem:$0x3FAA]  }
0x2b: {  	s6 =	sld [smem:$0x3FAB]  }
0x2c: {  	s7 =	sld [smem:$0x3FAC]  }
0x2d: {  	s3 =	simm.s32 $0x108;
	s8 =	sld [smem:$0x3FAD]  }
0x2e: {  	s3 =	simm.s32 @!p0 $0x1082;
	s9 =	sld [smem:$0x3FAE]  }
0x2f: {  	lr =	sadd.s32 s0, s3;
	s0 =	sld [smem:$0x3FA5]  }
0x30: {  	s3 =	sld [smem:$0x3FA8]  }
0x31: {  	[smem:$0x3FB1] =	sst s10  }
0x32: {  	s10 =	sld [smem:$0x3FAF];
	_ =	sdelay $0x3  }
0x33: {  	p0 =	seq.s32 s10, $0x1;
	s10 =	sld [smem:$0x3FB1];
	_ =	sdelay $0x3  }
0x34: {  	[smem:$0x3FB1] =	sst s10  }
0x35: {  	s10 =	sld [smem:$0x3FB0];
	_ =	sdelay $0x3  }
0x36: {  	p1 =	seq.s32 s10, $0x1;
	s10 =	sld [smem:$0x3FB1];
	_ =	sdelay $0x3  }
0x37: {  	[smem:$0x3FB1] =	sst s10  }
0x38: {  	s10 =	sld [smem:$0x3FB2]  }
0x39: {  	_ = 	snop;
	(pc) =	sbr.ind lr, $3  }
0x3a: {  	_ = 	snop  }
0x3b: {  	_ = 	snop  }
0x3c: {  	p2 =	seq.s32 s10, $0x1;
	s10 =	sld [smem:$0x3FB1]  }
0x3d: {  	_ =	shalt  }
0x3e: {  	_ =	shalt  }
0x3f: {  	_ =	shalt  }
0x40: {  	_ =	shalt  }
0x41: {  	_ =	shalt  }
0x42: {  	_ =	shalt  }
0x43: {  	_ =	shalt  }
0x44: {  	_ =	shalt  }
0x45: {  	_ =	shalt  }
0x46: {  	_ =	shalt  }
0x47: {  	_ =	shalt  }
0x48: {  	_ =	shalt  }
0x49: {  	_ =	shalt  }
0x4a: {  	_ =	shalt  }
0x4b: {  	_ =	shalt  }
0x4c: {  	_ =	shalt  }
0x4d: {  	_ =	shalt  }
0x4e: {  	_ =	shalt  }
0x4f: {  	_ =	shalt  }
0x50: {  	_ =	shalt  }
0x51: {  	_ =	shalt  }
0x52: {  	_ =	shalt  }
0x53: {  	_ =	shalt  }
0x54: {  	_ =	shalt  }
0x55: {  	_ =	shalt  }
0x56: {  	_ =	shalt  }
0x57: {  	_ =	shalt  }
0x58: {  	_ =	shalt  }
0x59: {  	_ =	shalt  }
0x5a: {  	_ =	shalt  }
0x5b: {  	_ =	shalt  }
0x5c: {  	_ =	shalt  }
0x5d: {  	_ =	shalt  }
0x5e: {  	_ =	shalt  }
0x5f: {  	_ =	shalt  }
0x60: {  	_ =	shalt  }
0x61: {  	_ =	shalt  }
0x62: {  	_ =	shalt  }
0x63: {  	_ =	shalt  }
0x64: {  	_ =	shalt  }
0x65: {  	_ =	shalt  }
0x66: {  	_ =	shalt  }
0x67: {  	_ =	shalt  }
0x68: {  	_ =	shalt  }
0x69: {  	_ =	shalt  }
0x6a: {  	_ =	shalt  }
0x6b: {  	_ =	shalt  }
0x6c: {  	_ =	shalt  }
0x6d: {  	_ =	shalt  }
0x6e: {  	_ =	shalt  }
0x6f: {  	_ =	shalt  }
0x70: {  	_ =	shalt  }
0x71: {  	_ =	shalt  }
0x72: {  	_ =	shalt  }
0x73: {  	_ =	shalt  }
0x74: {  	_ =	shalt  }
0x75: {  	_ =	shalt  }
0x76: {  	_ =	shalt  }
0x77: {  	_ =	shalt  }
0x78: {  	_ =	shalt  }
0x79: {  	_ =	shalt  }
0x7a: {  	_ =	shalt  }
0x7b: {  	_ =	shalt  }
0x7c: {  	_ =	shalt  }
0x7d: {  	_ =	shalt  }
0x7e: {  	_ =	shalt  }
0x7f: {  	_ =	shalt  }
0x80: {  	_ =	shalt  }
0x81: {  	_ =	shalt  }
0x82: {  	_ =	shalt  }
0x83: {  	_ =	shalt  }
0x84: {  	_ =	shalt  }
0x85: {  	_ =	shalt  }
0x86: {  	_ =	shalt  }
0x87: {  	_ =	shalt  }
.Lfunc_end0:
.L_simem_size_0:
called_computation.3_lowered:
.L_overlay_start_0:
0x88: {  	s2 =	sld [smem:$0x3FD9]  }
0x89: {  	s3 =	sld [smem:$0x3FFE];
	_ =	sdelay $0x1  }
0x8a: {  	s1 =	srdreg.scid  }
0x8b: {  	s0 =	sand.u32 $0x1, s1  }
0x8c: {  	s16 =	sshll.u32 s0, $0xA;
	s2 =	sadd.s32 s3, s2  }
0x8d: {  	s2 =	sadd.s32 s2, s16  }
0x8e: {  	[smem:$0x3FBD] =	sst s2  }
0x8f: {  	_ = 	snop  }
0x90: {  	(tm) =	ssettm $0x1  }
0x91: {  	s17 =	sld [smem:$0x3FFB];
	_ =	sdelay $0x3  }
0x92: {  	_ =	strace s17  }
0x93: {  	s2 =	sld [smem:$0x3FFC];
	_ =	sdelay $0x3  }
0x94: {  	_ =	strace s2  }
0x95: {  	s2 =	sld [smem:$0x3FFD];
	_ =	sdelay $0x3  }
0x96: {  	_ =	strace s2  }
0x97: {  	_ =	strace $0x8FFFFFFF  }
0x98: {  	s18 =	sld [smem:$0x3FDB];
	_ =	sdelay $0x1  }
0x99: {  	s19 =	simm.s32 $_scs_section_size  }
0x9a: {  	s4 =	simm.s32 $_size__tile_overlayer_lowered;
	s5 =	simm.s32 $_tile_overlayer_lowered  }
0x9b: {  	s22 =	simm.s32 $0x1BFF;
	s21 =	sshll.u32 s5, $0x1;
	s2 =	sadd.s32 s19, s18  }
0x9c: {  	s6 =	simm.s32 $0x0;
	s20 =	sshll.u32 s4, $0x1;
	s4 =	sadd.s32 s21, s2  }
0x9d: {  	[timem:s6], [sflag:s22] =	dma.local [hbm:s4], s20  }
0x9e: {  	_ =	swait.ge [sflag:s22], s20  }
0x9f: {  	s3 =	ssub.s32 $0x0, s20;
	[sflag:s22] =	ssyncset.done $0x0  }
0xa0: {  	[sflag:s22] =	ssyncadd.s32 s3;
	_ =	sdelay $0x1  }
0xa1: {  	s23 =	simm.s32 $0x1B8B  }
0xa2: {  	_ =	swait.ge [sflag:s23], $0x1  }
0xa3: {  	[sflag:s23] =	ssyncset.done $0x0  }
0xa4: {  	s25 =	simm.s32 $0x1B8E;
	s24 =	sld [smem:$0x3FFE];
	[sflag:s23] =	ssyncadd.s32 $0xFFFFFFFF  }
0xa5: {  	s26 =	simm.s32 $execute0_lowered;
	[smem:$0x3FD2] =	sst s25  }
0xa6: {  	s4 =	sshll.u32 s26, $0x1;
	_ =	strace $0x8000004F;
	[dreg:$0x1] =	wrdreg $0xFFFFFFFF  }
0xa7: {  	s28 =	simm.s32 $_size_execute0_lowered;
	s2 =	sadd.s32 s2, s4;
	[dreg:$0x0] =	wrdreg $0x0  }
0xa8: {  	s4 =	sshll.u32 s28, $0x1;
	[dreg:$0x2] =	wrdreg s2  }
0xa9: {  	[dreg:$0x3] =	wrdreg s4  }
0xaa: {  	[dreg:$0x4] =	wrdreg $0xC0  }
0xab: {  	_ =	task [dreg:s6], $0x5FFFF  }
0xac: {  	[dreg:$0x1] =	wrdreg $0xFFFFFFFF  }
0xad: {  	[dreg:$0x0] =	wrdreg $0x60  }
0xae: {  	[dreg:$0x2] =	wrdreg s24  }
0xaf: {  	[dreg:$0x3] =	wrdreg $0xC0000  }
0xb0: {  	[dreg:$0x4] =	wrdreg $0x110000  }
0xb1: {  	[dreg:$0x5] =	wrdreg $0x9  }
0xb2: {  	_ =	task.clear_ibuf [dreg:s6], $0x6FFFF;
	_ =	strace $0x9000004F  }
0xb3: {  	s29 =	simm.s32 $0x9;
	_ =	strace $0x80000051  }
0xb4: {  	_ =	swait.ge [sflag:s29], $0x1  }
0xb5: {  	[sflag:s29] =	ssyncadd.s32 $0xFFFFFFFF  }
0xb6: {  	_ =	strace $0x90000051  }
0xb7: {  	_ =	sfence  }
0xb8: {  	s30 =	sld [smem:$0x0];
	_ =	sdelay $0x2  }
0xb9: {  	s31 =	sshll.u32 s1, $0xD;
	s1 =	sshrl.u32 s1, $0x2  }
0xba: {  	s3 =	sand.u32 $0x4000, s31;
	s1 =	sadd.s32 s1, s30  }
0xbb: {  	s0 =	sor.u32 s3, s0;
	s1 =	sshll.u32 s1, $0x11  }
0xbc: {  	s0 =	sor.u32 s1, s0  }
0xbd: {  	s0 =	sadd.s32 $0x8F2B, s0  }
0xbe: {  	[sflag:s0] =	ssyncadd.remote.s32 $0x1  }
0xbf: {  	_ =	sfence.sel $0xFFFF  }
0xc0: {  	[dreg:$0x0] =	wrdreg $0xFFFFFFFF;
	(pc) =	sbr.abs _section_cstart, $3  }
0xc1: {  	[dreg:$0x1] =	wrdreg $0xFFFFFFFF  }
0xc2: {  	_ =	task.clear_ibuf [dreg:s6], $0x2FFFF;
	_ =	strace $0x9FFFFFFF  }
0xc3: {  	(tm) =	ssettm $0x7FFFFFFF  }
tec
execute0_lowered:
.L_overlay_start_1:
0x0: {  	(tag) =	ssettag $0x1  }
0x1: {  	s5 =	rddreg [dreg:$0x0]  }
0x2: {  	s2 =	rddreg [dreg:$0x1]  }
0x3: {  	s3 =	rddreg [dreg:$0x2]  }
0x4: {  	s0 =	rddreg [dreg:$0x3]  }
0x5: {  	s1 =	stileid.u32;
	s7 =	srdreg.scid;
	s4 =	simm.s32 $0x0  }
0x6: {  	s15 =	simm.s32 $0x2800;
	s16 =	simm.s32 $0x80;
	s17 =	simm.s32 $0x5000  }
0x7: {  	s18 =	simm.s32 $0x1;
	s19 =	simm.s32 $0x6000;
	s20 =	simm.s32 $0x2  }
0x8: {  	s21 =	simm.s32 $0x2780;
	s22 =	simm.s32 $0x4F00;
	s6 =	smul.u32 $0x4E20, s1  }
0x9: {  	s23 =	simm.s32 $0x4F80;
	s7 =	sand.u32 $0x1, s7;
	s8 =	smul.u32 $0x5000, s1  }
0xa: {  	[smem:$0x7FF] =	sst s4;
	s13 =	sshll.u32 s1, $0x6;
	s9 =	sshll.u32 s7, $0x4  }
0xb: {  	s10 =	smul.u32 $0x50000, s7;
	_ =	strace $0x80000050;
	s7 =	ssub.s32 $0x2, s7  }
0xc: {  	s13 =	sor.u32 $0x1C03, s13;
	s11 =	sshrl.u32 s6, $0x3;
	s9 =	sor.u32 s1, s9  }
0xd: {  	s12 =	sshrl.u32 s7, $0x1;
	s14 =	sadd.s32 s6, s3;
	s9 =	smul.u32 $0x500, s9  }
0xe: {  	s10 =	sadd.s32 s8, s10;
	s11 =	sadd.s32 s11, s5;
	s12 =	ssub.s32 s7, s12  }
0xf: {  	s14 =	sshrl.u32 s14, $0x3;
	s10 =	sshrl.u32 s10, $0x3;
	s6 =	sadd.s32 $0xCC00, s11  }
0x10: {  	s11 =	simm.s32 $0x7000;
	s9 =	sadd.s32 s9, s5;
	s10 =	sadd.s32 s10, s5  }
0x11: {  	s5 =	sadd.s32 s8, s2;
	s7 =	sadd.s32 $0x20C00, s9;
	s8 =	sadd.s32 $0x2C00, s9  }
0x12: {  	v0 =	vimm.f32 $0.0e+00;
	s9 =	sadd.s32 $0x2AC00, s10;
	s10 =	smax.u32 s12, $0x1;
	s12 =	simm.s32 $0x3  }
.LBB2_1:
0x13: {  	s24 =	simm.s32 $0x80;
	s25 =	simm.s32 $0x0  }
.LBB2_2:
0x14: {  	p0 =	sne.s32 s24, $0x13F80;
	[tilespmem:s25+$0x7000] =	vst v0;
	s26 =	smov.u32 s24;
	s24 =	sadd.s32 $0x80, s24  }
.Ltmp0:
0x15: {  	[tilespmem:s25+$0x7010] =	vst v0;
	(pc) =	sbr.rel @p0 .LBB2_2-.Ltmp0, $2  }
0x16: {  	_ =	sdelay $0x2  }
0x17: {  	s25 =	sshra.s32 s26, $0x2  }
0x18: {  	[tilespmem:s25+$0x7000] =	vst v0  }
0x19: {  	[tilespmem:s25+$0x7010] =	vst v0  }
0x1a: {  	[spmem:s5] =	stream.linear.scatter [tilespmem:s11], [sflag:$0x3], $0x5000, $0x38;
	[tilespmem:$0x15E20] =	vst v63  }
0x1b: {  	_ =	swait.ge [sflag:s12], $0x5000  }
0x1c: {  	[sflag:s12] =	ssyncset.done $0x0  }
0x1d: {  	[sflag:s12] =	ssyncadd.s32 $0xFFFFB000  }
0x1e: {  	[spmem:s14], [sflag:s13] =	dma.local [hbm:s6], $0x9C4  }
0x1f: {  	_ =	swait.ge [sflag:s12], $0x9C4  }
0x20: {  	[sflag:s12] =	ssyncset.done $0x0  }
0x21: {  	[sflag:s12] =	ssyncadd.s32 $0xFFFFF63C  }
0x22: {  	s24 =	simm.s32 $0x0;
	[bflag:$0x0] =	sbarrier.arrive $0xFFFF  }
0x23: {  	[tilespmem:s24], [sflag:$0x3] =	stream.linear.gather [hbm4b:s7+s24], $0x2800, $0x38;
	[tilespmem:$0x15E20] =	vst v63  }
0x24: {  	_ =	swait.ge [sflag:s12], $0x2800  }
0x25: {  	[sflag:s12] =	ssyncset.done $0x0  }
0x26: {  	[sflag:s12] =	ssyncadd.s32 $0xFFFFD800  }
0x27: {  	[tilespmem:s15], [sflag:$0x3] =	stream.linear.gather [hbm4b:s8+s24], $0x2800, $0x38;
	[tilespmem:$0x15E20] =	vst v63  }
0x28: {  	_ =	swait.ge [sflag:s12], $0x2800  }
0x29: {  	[sflag:s12] =	ssyncset.done $0x0  }
0x2a: {  	[sflag:s12] =	ssyncadd.s32 $0xFFFFD800  }
0x2b: {  	[tilespmem:s17], [sflag:$0x1] =	stream.indirect.gather [spmem:s3], $0x20, s24, s16, $0xb8;
	[tilespmem:$0x15E20] =	vst v63  }
0x2c: {  	_ =	swait.ge [sflag:s18], $0x1000  }
0x2d: {  	[sflag:s18] =	ssyncset.done $0x0  }
0x2e: {  	s28 =	simm.s32 $0x80;
	[sflag:s18] =	ssyncadd.s32 $0xFFFFF000  }
0x2f: {  	[tilespmem:s19], [sflag:$0x2] =	stream.indirect.gather [spmem:s3], $0x20, s28, s16, $0xb8;
	[tilespmem:$0x15E20] =	vst v63  }
0x30: {  	s29 =	simm.s32 $0x2800  }
0x31: {  	[spmem:s2] =	stream.indirect.scatter.add.f32 [tilespmem:s17], [sflag:$0x3], $0x20, s29, s16, $0xb8;
	[tilespmem:$0x15E20] =	vst v63  }
0x32: {  	_ =	swait.ge [sflag:s12], $0x1000  }
0x33: {  	[sflag:s12] =	ssyncset.done $0x0  }
0x34: {  	[sflag:s12] =	ssyncadd.s32 $0xFFFFF000  }
0x35: {  	_ =	swait.ge [sflag:s20], $0x1000  }
0x36: {  	[sflag:s20] =	ssyncset.done $0x0  }
0x37: {  	s30 =	simm.s32 $0x100;
	[sflag:s20] =	ssyncadd.s32 $0xFFFFF000  }
0x38: {  	[tilespmem:s17], [sflag:$0x1] =	stream.indirect.gather [spmem:s3], $0x20, s30, s16, $0xb8;
	[tilespmem:$0x15E20] =	vst v63  }
0x39: {  	s31 =	simm.s32 $0x2880  }
0x3a: {  	[spmem:s2] =	stream.indirect.scatter.add.f32 [tilespmem:s19], [sflag:$0x3], $0x20, s31, s16, $0xb8;
	[tilespmem:$0x15E20] =	vst v63  }
0x3b: {  	_ =	swait.ge [sflag:s12], $0x1000  }
0x3c: {  	s24 =	simm.s32 $0x400;
	[sflag:s12] =	ssyncset.done $0x0  }
.LBB2_4:
0x3d: {  	p0 =	sne.s32 s24, $0x9800  }
0x3e: {  	[sflag:s12] =	ssyncadd.s32 $0xFFFFF000;
	s25 =	smov.u32 s24;
	s24 =	sadd.s32 $0x400, s24  }
0x3f: {  	_ = 	snop  }
0x40: {  	_ =	swait.ge [sflag:s18], $0x1000  }
0x41: {  	s25 =	sshra.s32 s25, $0x2;
	[sflag:s18] =	ssyncset.done $0x0  }
0x42: {  	s26 =	sadd.s32 $0x80, s25;
	[sflag:s18] =	ssyncadd.s32 $0xFFFFF000  }
0x43: {  	[tilespmem:s19], [sflag:$0x2] =	stream.indirect.gather [spmem:s3], $0x20, s26, s16, $0xb8;
	[tilespmem:$0x15E20] =	vst v63  }
0x44: {  	s26 =	sadd.s32 $0x2800, s25  }
0x45: {  	[spmem:s2] =	stream.indirect.scatter.add.f32 [tilespmem:s17], [sflag:$0x3], $0x20, s26, s16, $0xb8;
	[tilespmem:$0x15E20] =	vst v63  }
0x46: {  	_ =	swait.ge [sflag:s12], $0x1000  }
0x47: {  	[sflag:s12] =	ssyncset.done $0x0  }
0x48: {  	[sflag:s12] =	ssyncadd.s32 $0xFFFFF000  }
0x49: {  	_ =	swait.ge [sflag:s20], $0x1000  }
0x4a: {  	[sflag:s20] =	ssyncset.done $0x0  }
0x4b: {  	s26 =	sadd.s32 $0x100, s25;
	[sflag:s20] =	ssyncadd.s32 $0xFFFFF000  }
0x4c: {  	[tilespmem:s17], [sflag:$0x1] =	stream.indirect.gather [spmem:s3], $0x20, s26, s16, $0xb8;
	[tilespmem:$0x15E20] =	vst v63  }
.Ltmp1:
0x4d: {  	_ = 	snop;
	(pc) =	sbr.rel @p0 .LBB2_4-.Ltmp1, $4  }
0x4e: {  	s25 =	sadd.s32 $0x2880, s25  }
0x4f: {  	[spmem:s2] =	stream.indirect.scatter.add.f32 [tilespmem:s19], [sflag:$0x3], $0x20, s25, s16, $0xb8;
	[tilespmem:$0x15E20] =	vst v63  }
0x50: {  	_ =	swait.ge [sflag:s12], $0x1000  }
0x51: {  	[sflag:s12] =	ssyncset.done $0x0  }
0x52: {  	[sflag:s12] =	ssyncadd.s32 $0xFFFFF000  }
0x53: {  	_ =	swait.ge [sflag:s18], $0x1000  }
0x54: {  	[sflag:s18] =	ssyncset.done $0x0  }
0x55: {  	[sflag:s18] =	ssyncadd.s32 $0xFFFFF000  }
0x56: {  	[tilespmem:s19], [sflag:$0x2] =	stream.indirect.gather [spmem:s3], $0x20, s21, s16, $0xb8;
	[tilespmem:$0x15E20] =	vst v63  }
0x57: {  	_ = 	snop  }
0x58: {  	[spmem:s2] =	stream.indirect.scatter.add.f32 [tilespmem:s17], [sflag:$0x3], $0x20, s22, s16, $0xb8;
	[tilespmem:$0x15E20] =	vst v63  }
0x59: {  	_ =	swait.ge [sflag:s12], $0x1000  }
0x5a: {  	[sflag:s12] =	ssyncset.done $0x0  }
0x5b: {  	[sflag:s12] =	ssyncadd.s32 $0xFFFFF000  }
0x5c: {  	_ =	swait.ge [sflag:s20], $0x1000  }
0x5d: {  	[sflag:s20] =	ssyncset.done $0x0  }
0x5e: {  	[sflag:s20] =	ssyncadd.s32 $0xFFFFF000  }
0x5f: {  	[spmem:s2] =	stream.indirect.scatter.add.f32 [tilespmem:s19], [sflag:$0x3], $0x20, s23, s16, $0xb8;
	[tilespmem:$0x15E20] =	vst v63  }
0x60: {  	_ =	swait.ge [sflag:s12], $0x1000  }
0x61: {  	s4 =	sadd.s32 $0x1, s4;
	[sflag:s12] =	ssyncset.done $0x0  }
0x62: {  	p0 =	sne.s32 s4, s10;
	[sflag:s12] =	ssyncadd.s32 $0xFFFFF000  }
.Ltmp2:
0x63: {  	s24 =	sshrl.u32 s5, $0x3;
	[bflag:$0x0] =	sbarrier.arrive $0xFFFF;
	(pc) =	sbr.rel @p0 .LBB2_1-.Ltmp2, $4  }
0x64: {  	[hbm:s9], [sflag:s13] =	dma.local [spmem:s24], $0xA00  }
0x65: {  	_ =	swait.ge [sflag:s12], $0xA00  }
0x66: {  	[sflag:s12] =	ssyncset.done $0x0  }
0x67: {  	[sflag:s12] =	ssyncadd.s32 $0xFFFFF600  }
0x68: {  	_ =	sfence.sel $0x180000  }
0x69: {  	[bflag:$0x0] =	sbarrier.arrive $0xFFFF  }
0x6a: {  	p0 =	sne.s32 s1, $0x0;
	_ =	strace $0x90000050  }
0x6b: {  	s0 =	sadd.s32 @!p0 $0x100000, s0;
	[bflag:$0x2] =	sbarrier.arrive $0xFFFF  }
0x6c: {  	[sflag:s0] =	ssyncadd.tile.s32 @!p0 $0x1;
	_ =	shalt  }
.Lfunc_end2:
_tile_overlayer_lowered:
.L_overlay_start_2:
0x6d: {  	(tag) =	ssettag $0x2  }
0x6e: {  	s0 =	rddreg [dreg:$0x0];
	s2 =	stileid.u32  }
0x6f: {  	s1 =	rddreg [dreg:$0x1];
	p0 =	sne.s32 s2, $0x0  }
0x70: {  	s3 =	rddreg [dreg:$0x2];
	[bflag:$0x3] =	sbarrier.arrive $0xFFFF;
	s2 =	simm.s32 @!p0 $0x1C03  }
0x71: {  	[timem:s3], [sflag:s2] =	dma.local @!p0 [hbm:s0], s1  }
0x72: {  	s0 =	simm.s32 @!p0 $0x3  }
0x73: {  	_ =	swait.ge @!p0 [sflag:s0], s1  }
0x74: {  	s1 =	ssub.s32 @!p0 $0x0, s1;
	[sflag:s0] =	ssyncset.done @!p0 $0x0  }
0x75: {  	[sflag:s0] =	ssyncadd.s32 @!p0 s1  }
0x76: {  	[bflag:$0x3] =	sbarrier.arrive $0xFFFF  }
0x77: {  	_ =	shalt  }

</sc_bundles>
